<compile_context>
chip_gen: v7x
topology: tpu7x:2x2x1
jax: 0.10.2.dev20260603
libtpu: 0.0.44.dev20260713+nightly
codegen_flags: <defaults>
</compile_context>

<pallas_src>
import functools

import jax
import jax.numpy as jnp
from jax import lax
from jax.experimental import pallas as pl
from jax.experimental.pallas import tpu as pltpu
from jax.experimental.pallas import tpu_sc as plsc

_NUM_CLASSES = 80
_L_COORD = 0.05
_L_CONF = 1.0
_L_CLS = 0.5
_B, _H, _W, _A = 16, 64, 64, 3
_N = 64
_HW = _H * _W
_CH = _A * (5 + _NUM_CLASSES)
_ROWS = _B * _HW * _A
_NB = _B * _N
_BPT = _NB // 32


def _sc_route_body(bb_hbm, anc_hbm, packed_hbm,
                   xbuf, ybuf, wbuf, hbuf, abuf, cbuf):
    wid = lax.axis_index("s") * 2 + lax.axis_index("c")
    base = wid * _BPT
    pltpu.sync_copy(bb_hbm.at[pl.ds(0 * _NB + base, _BPT)], xbuf)
    pltpu.sync_copy(bb_hbm.at[pl.ds(1 * _NB + base, _BPT)], ybuf)
    pltpu.sync_copy(bb_hbm.at[pl.ds(2 * _NB + base, _BPT)], wbuf)
    pltpu.sync_copy(bb_hbm.at[pl.ds(3 * _NB + base, _BPT)], hbuf)
    pltpu.sync_copy(anc_hbm, abuf)
    for v in range(_BPT // 16):
        x = xbuf[pl.ds(v * 16, 16)]
        y = ybuf[pl.ds(v * 16, 16)]
        w = wbuf[pl.ds(v * 16, 16)]
        h = hbuf[pl.ds(v * 16, 16)]
        cx = x + w * 0.5
        cy = y + h * 0.5
        fx = (cx * jnp.float32(_W)).astype(jnp.int32)
        fy = (cy * jnp.float32(_H)).astype(jnp.int32)
        ax0 = abuf[pl.ds(0, 16)]
        ay0 = abuf[pl.ds(16, 16)]
        ax1 = abuf[pl.ds(32, 16)]
        ay1 = abuf[pl.ds(48, 16)]
        ax2 = abuf[pl.ds(64, 16)]
        ay2 = abuf[pl.ds(80, 16)]
        q0 = jnp.maximum(w / ax0, ax0 / w) * jnp.maximum(h / ay0, ay0 / h)
        q1 = jnp.maximum(w / ax1, ax1 / w) * jnp.maximum(h / ay1, ay1 / h)
        q2 = jnp.maximum(w / ax2, ax2 / w) * jnp.maximum(h / ay2, ay2 / h)
        s01 = jnp.minimum(jnp.sign(q1 - q0) + 1.0, 1.0)
        s02 = jnp.minimum(jnp.sign(q2 - q0) + 1.0, 1.0)
        s12 = jnp.minimum(jnp.sign(q2 - q1) + 1.0, 1.0)
        is0 = s01 * s02
        best_f = (1.0 - is0) * (s12 + 2.0 * (1.0 - s12))
        cbuf[pl.ds(v * 16, 16)] = (fy * _W + fx) + _HW * best_f.astype(jnp.int32)
    pltpu.sync_copy(cbuf, packed_hbm.at[pl.ds(base, _BPT)])


def _sc_route(bb_flat, anc_pad):
    mesh = plsc.VectorSubcoreMesh(core_axis_name="c", subcore_axis_name="s")
    fn = functools.partial(
        pl.kernel,
        mesh=mesh,
        out_type=jax.ShapeDtypeStruct((_NB,), jnp.int32),
        scratch_types=[pltpu.VMEM((_BPT,), jnp.float32),
                       pltpu.VMEM((_BPT,), jnp.float32),
                       pltpu.VMEM((_BPT,), jnp.float32),
                       pltpu.VMEM((_BPT,), jnp.float32),
                       pltpu.VMEM((96,), jnp.float32),
                       pltpu.VMEM((_BPT,), jnp.int32)],
    )(_sc_route_body)
    return fn(bb_flat, anc_pad)


def _softplus(x):
    return jnp.maximum(x, 0.0) + jnp.log1p(jnp.exp(-jnp.abs(x)))


def _image_terms(p, bb, lab, packed, anc):
    cells = packed % _HW
    best = packed // _HW
    eps = 1e-8
    cell = 1.0 / jnp.float32(_W)
    cxy = bb[:, 0:2] + bb[:, 2:4] * 0.5
    cij_fx = (cells % _W).astype(jnp.float32)
    cij_fy = (cells // _W).astype(jnp.float32)
    cij_f = jnp.concatenate([cij_fx, cij_fy], axis=1)
    frac = (cxy - cij_f * cell) / cell + eps
    txy = -jnp.log(1.0 / frac - 1.0)

    log_wh = jnp.log(bb[:, 2:4])
    log_anc = jnp.log(anc)
    twh0 = log_wh - log_anc[0:1, :]
    twh1 = log_wh - log_anc[1:2, :]
    twh2 = log_wh - log_anc[2:3, :]
    m0 = (best == 0).astype(jnp.float32)
    m1 = (best == 1).astype(jnp.float32)
    m2 = (best == 2).astype(jnp.float32)
    sS0 = jnp.max(m0)
    sS1 = jnp.max(m1)
    sS2 = jnp.max(m2)
    n_obj_i = jnp.float32(_N) * (sS0 + sS1 + sS2)

    pos = lax.broadcasted_iota(jnp.int32, (_N, _HW), 1)
    onehot = (cells == pos).astype(jnp.float32)
    g = jnp.dot(onehot, p, preferred_element_type=jnp.float32)

    coord = jnp.float32(0.0)
    objx = jnp.float32(0.0)
    for a, (twh_a, ss_a) in enumerate(((twh0, sS0), (twh1, sS1), (twh2, sS2))):
        base = a * (5 + _NUM_CLASSES)
        d_xy = g[:, base:base + 2] - txy
        d_wh = g[:, base + 2:base + 4] - twh_a
        coord += ss_a * (jnp.sum(d_xy * d_xy) + jnp.sum(d_wh * d_wh))
        objx += ss_a * jnp.sum(g[:, base + 4:base + 5])

    conf_cols = jnp.concatenate(
        [p[:, 4:5].reshape(32, 128),
         p[:, 89:90].reshape(32, 128),
         p[:, 174:175].reshape(32, 128)], axis=0)
    sp = jnp.sum(_softplus(conf_cols))

    z = m0 * g[:, 5:85] + m1 * g[:, 90:170] + m2 * g[:, 175:255]
    zmax = jnp.max(z, axis=1, keepdims=True)
    lse = zmax + jnp.log(jnp.sum(jnp.exp(z - zmax), axis=1, keepdims=True))
    cls_iota = lax.broadcasted_iota(jnp.int32, (_N, _NUM_CLASSES), 1)
    onehot_lab = (lab == cls_iota).astype(jnp.float32)
    z_lab = jnp.sum(onehot_lab * z, axis=1, keepdims=True)
    ce = jnp.sum(lse - z_lab)

    return coord, sp, objx, ce, n_obj_i


def _loss_body(pred_ref, bb_ref, lab_ref, packed_ref, anc_ref, out_ref):
    i = pl.program_id(0)

    @pl.when(i == 0)
    def _init():
        out_ref[...] = jnp.zeros_like(out_ref)

    anc = anc_ref[...]
    coord, sp, objx, ce, n_obj = _image_terms(
        pred_ref[0], bb_ref[0], lab_ref[0], packed_ref[0], anc)

    row = lax.broadcasted_iota(jnp.int32, (8, 128), 0)
    lane = lax.broadcasted_iota(jnp.int32, (8, 128), 1)
    r0 = row == 0
    contrib = jnp.where(jnp.logical_and(r0, lane == 0), coord, 0.0)
    contrib += jnp.where(jnp.logical_and(r0, lane == 1), sp, 0.0)
    contrib += jnp.where(jnp.logical_and(r0, lane == 2), objx, 0.0)
    contrib += jnp.where(jnp.logical_and(r0, lane == 3), ce, 0.0)
    contrib += jnp.where(jnp.logical_and(r0, lane == 4), n_obj, 0.0)
    out_ref[...] += contrib


def kernel(pred, bboxes, labels, anchors):
    pred_r = pred.reshape(_B, _HW, _CH)
    lab_r = labels.reshape(_B, _N, 1).astype(jnp.int32)

    bb_t = bboxes.reshape(_NB, 4).T.reshape(-1)
    anc_b = jnp.broadcast_to(anchors.reshape(-1)[:, None], (6, 16)).reshape(-1)
    packed = _sc_route(bb_t, anc_b)
    packed_r = packed.reshape(_B, _N, 1)

    out = pl.pallas_call(
        _loss_body,
        grid=(_B,),
        in_specs=[
            pl.BlockSpec((1, _HW, _CH), lambda i: (i, 0, 0)),
            pl.BlockSpec((1, _N, 4), lambda i: (i, 0, 0)),
            pl.BlockSpec((1, _N, 1), lambda i: (i, 0, 0)),
            pl.BlockSpec((1, _N, 1), lambda i: (i, 0, 0)),
            pl.BlockSpec((_A, 2), lambda i: (0, 0)),
        ],
        out_specs=pl.BlockSpec((8, 128), lambda i: (0, 0)),
        out_shape=jax.ShapeDtypeStruct((8, 128), jnp.float32),
    )(pred_r, bboxes, lab_r, packed_r, anchors)

    o = out[0]
    coord_sum, sp_sum, objx, ce_sum, n_obj = o[0], o[1], o[2], o[3], o[4]
    coord_loss = _L_COORD * coord_sum / (n_obj * 4.0)
    conf_loss = _L_CONF * (sp_sum - objx) / jnp.float32(_ROWS)
    class_loss = _L_CLS * ce_sum / n_obj
    loss = coord_loss + conf_loss + class_loss
    return (loss, coord_loss, conf_loss, class_loss)

# --- scband reference (transcript-rebuilt; emitter-appended) ---
"""Pipeline reference for scband-yololoss-11192684774198 (READ-ONLY COPY).

The authoritative reference and input builder live on the scoring server;
editing this copy changes nothing except your own understanding.
"""

import jax, jax.numpy as jnp
import numpy as np

NUM_CLASSES = 80
LAMBDA_COORD = 0.05
LAMBDA_CONF = 1.0
LAMBDA_CLS = 0.5


def setup_inputs(seed: int = 0) -> dict:
    key = jax.random.key(seed)
    B, H, W, A, C, N = 16, 64, 64, 3, 80, 64
    k1, k2, k3, k4, k5 = jax.random.split(key, 5)
    pred = jax.random.normal(k1, (B, H, W, A * (5 + C)), dtype=jnp.float32)
    # Sample N distinct grid cells per image so scatter writes are collision-free
    # and box centers stay strictly inside [0, 1) (keeps torch's try/except happy path).
    cells = jax.vmap(lambda k: jax.random.permutation(k, H * W)[:N])(jax.random.split(k2, B))
    cy_i = (cells // W).astype(jnp.float32)
    cx_i = (cells % W).astype(jnp.float32)
    jitter = jax.random.uniform(k3, (B, N, 2), minval=0.1, maxval=0.9)
    cxy = jnp.stack([(cx_i + jitter[..., 0]) / W, (cy_i + jitter[..., 1]) / H], axis=-1)
    wh = jax.random.uniform(k4, (B, N, 2), minval=0.05, maxval=0.5)
    bboxes = jnp.concatenate([cxy - wh / 2.0, wh], axis=-1).astype(jnp.float32)  # xywh
    labels = jax.random.randint(k5, (B, N), 0, C)
    anchors = jnp.array([[0.08, 0.1], [0.25, 0.3], [0.55, 0.6]], dtype=jnp.float32)
    return {"pred": pred, "bboxes": bboxes, "labels": labels, "anchors": anchors}


def build_targets(bboxes, labels, grid_size, anchors, num_classes):
    A = anchors.shape[0]
    B, N = bboxes.shape[0], bboxes.shape[1]
    W, H = grid_size
    cell = jnp.array([1.0 / W, 1.0 / H], dtype=jnp.float32)
    eps = 1e-8
    outs = []
    for i in range(B):
        bbox = bboxes[i]
        label = labels[i]
        # box_convert xywh -> cxcywh
        cxy = bbox[:, :2] + bbox[:, 2:] / 2.0
        wh = bbox[:, 2:]
        cell_ij = jnp.floor(cxy / cell).astype(jnp.int32)
        offsets = cell_ij.astype(jnp.float32) * cell
        txy = -jnp.log(1.0 / ((cxy - offsets) / cell + eps) - 1.0)
        twh = jnp.log(wh[:, None, :] / anchors[None, :, :])
        txy = jnp.repeat(txy[:, None, :], A, axis=1)
        sum_twh = jnp.abs(twh).sum(axis=-1)
        min_idx = jnp.argmin(sum_twh, axis=-1)
        # Faithful to torch bug: confidence[:, min_twh_idx] = 1 sets, for EVERY row,
        # all anchor columns that are best for ANY box in this image.
        conf = jnp.zeros((N, A, 1), dtype=jnp.float32).at[:, min_idx, :].set(1.0)
        cls = jnp.zeros((N, A, num_classes), dtype=jnp.float32).at[jnp.arange(N), min_idx, label].set(1.0)
        tv = jnp.concatenate([txy, twh, conf, cls], axis=-1).reshape(N, A * (5 + num_classes))
        t_i = jnp.zeros((H, W, A * (5 + num_classes)), dtype=jnp.float32).at[cell_ij[:, 1], cell_ij[:, 0], :].set(tv)
        outs.append(t_i)
    return jnp.stack(outs, axis=0)


def reference(pred, bboxes, labels, anchors):
    num_classes = NUM_CLASSES
    grid_size = (pred.shape[1], pred.shape[2])
    target = build_targets(bboxes, labels, grid_size, anchors, num_classes)
    pred_f = pred.reshape(-1, 5 + num_classes)
    tgt_f = target.reshape(-1, 5 + num_classes)
    obj = (tgt_f[:, 4] == 1.0).astype(jnp.float32)
    n_obj = obj.sum()
    # MSELoss(mean) over obj rows x 4 coords, expressed as masked sum / count
    coord_loss = LAMBDA_COORD * (obj[:, None] * (pred_f[:, :4] - tgt_f[:, :4]) ** 2).sum() / (n_obj * 4.0)
    # BCEWithLogitsLoss(mean) over ALL rows: softplus(x) - t*x
    x = pred_f[:, 4]
    t = tgt_f[:, 4]
    conf_loss = LAMBDA_CONF * jnp.mean(jax.nn.softplus(x) - t * x)
    # CrossEntropyLoss(mean) with probability targets over obj rows
    logp = jax.nn.log_softmax(pred_f[:, 5:], axis=-1)
    row_ce = -(tgt_f[:, 5:] * logp).sum(axis=-1)
    class_loss = LAMBDA_CLS * (obj * row_ce).sum() / n_obj
    loss = coord_loss + conf_loss + class_loss
    return (loss, coord_loss, conf_loss, class_loss)

if __name__ == "__main__":
    import jax
    _d = setup_inputs()
    print(jax.jit(kernel)(*tuple(_d.values())))

</pallas_src>

<mosaic_0001>
#map = affine_map<(d0, d1) -> (0)>
module attributes {stable_mosaic.version = 14 : i64} {
  func.func @_sc_route_body(%arg0: i32, %arg1: i32, %arg2: memref<4096xf32, #tpu.memory_space<hbm>>, %arg3: memref<96xf32, #tpu.memory_space<hbm>>, %arg4: memref<1024xi32, #tpu.memory_space<hbm>>, %arg5: memref<32xf32, #tpu.memory_space<vmem>>, %arg6: memref<32xf32, #tpu.memory_space<vmem>>, %arg7: memref<32xf32, #tpu.memory_space<vmem>>, %arg8: memref<32xf32, #tpu.memory_space<vmem>>, %arg9: memref<96xf32, #tpu.memory_space<vmem>>, %arg10: memref<32xi32, #tpu.memory_space<vmem>>) attributes {dimension_semantics = [#tpu.dimension_semantics<core_parallel>, #tpu.dimension_semantics<subcore_parallel>], iteration_bounds = array<i64: 2, 16>, scalar_prefetch = 0 : i64, scratch_operands = 6 : i64, tpu.core_type = #tpu.core_type<sc_vector_subcore>, window_params = [{transform_indices = #map}, {transform_indices = #map}, {transform_indices = #map}]} {
    %mul3A = arith.constant 2 : i32
    %mul3A_0 = arith.muli %arg1, %mul3A : i32
    %add3A = arith.addi %mul3A_0, %arg0 : i32
    %mul3A_1 = arith.constant 32 : i32
    %mul3A_2 = arith.muli %add3A, %mul3A_1 : i32
    %add3A_3 = arith.constant 0 : i32
    %add3A_4 = arith.addi %add3A_3, %mul3A_2 : i32
    "tpu.region"() ({
      %run_scoped3A = tpu.sem_alloc : memref<!tpu.dma_semaphore, #tpu.memory_space<semaphore_mem>>
      %dma_start3A = tpu.memref_slice %arg2[%add3A_4] : memref<4096xf32, #tpu.memory_space<hbm>> -> memref<32xf32, #tpu.memory_space<hbm>>
      %dma_start3A_307 = tpu.memref_slice %arg2[%add3A_4] : memref<4096xf32, #tpu.memory_space<hbm>> -> memref<32xf32, #tpu.memory_space<hbm>>
      tpu.enqueue_dma source(%dma_start3A_307 : memref<32xf32, #tpu.memory_space<hbm>>) target(%arg5 : memref<32xf32, #tpu.memory_space<vmem>>) target_semaphore(%run_scoped3A : memref<!tpu.dma_semaphore, #tpu.memory_space<semaphore_mem>>)
      %dma_wait3A = tpu.memref_slice %arg2[%add3A_4] : memref<4096xf32, #tpu.memory_space<hbm>> -> memref<32xf32, #tpu.memory_space<hbm>>
      %dma_wait3A_308 = tpu.memref_slice %arg2[%add3A_4] : memref<4096xf32, #tpu.memory_space<hbm>> -> memref<32xf32, #tpu.memory_space<hbm>>
      tpu.wait_dma2 semaphore(%run_scoped3A : memref<!tpu.dma_semaphore, #tpu.memory_space<semaphore_mem>>) src(%dma_wait3A_308 : memref<32xf32, #tpu.memory_space<hbm>>) dst(%arg5 : memref<32xf32, #tpu.memory_space<vmem>>)
      tpu.yield
    }) : () -> ()
    %add3A_5 = arith.constant 1024 : i32
    %add3A_6 = arith.addi %add3A_5, %mul3A_2 : i32
    "tpu.region"() ({
      %run_scoped3A = tpu.sem_alloc : memref<!tpu.dma_semaphore, #tpu.memory_space<semaphore_mem>>
      %dma_start3A = tpu.memref_slice %arg2[%add3A_6] : memref<4096xf32, #tpu.memory_space<hbm>> -> memref<32xf32, #tpu.memory_space<hbm>>
      %dma_start3A_307 = tpu.memref_slice %arg2[%add3A_6] : memref<4096xf32, #tpu.memory_space<hbm>> -> memref<32xf32, #tpu.memory_space<hbm>>
      tpu.enqueue_dma source(%dma_start3A_307 : memref<32xf32, #tpu.memory_space<hbm>>) target(%arg6 : memref<32xf32, #tpu.memory_space<vmem>>) target_semaphore(%run_scoped3A : memref<!tpu.dma_semaphore, #tpu.memory_space<semaphore_mem>>)
      %dma_wait3A = tpu.memref_slice %arg2[%add3A_6] : memref<4096xf32, #tpu.memory_space<hbm>> -> memref<32xf32, #tpu.memory_space<hbm>>
      %dma_wait3A_308 = tpu.memref_slice %arg2[%add3A_6] : memref<4096xf32, #tpu.memory_space<hbm>> -> memref<32xf32, #tpu.memory_space<hbm>>
      tpu.wait_dma2 semaphore(%run_scoped3A : memref<!tpu.dma_semaphore, #tpu.memory_space<semaphore_mem>>) src(%dma_wait3A_308 : memref<32xf32, #tpu.memory_space<hbm>>) dst(%arg6 : memref<32xf32, #tpu.memory_space<vmem>>)
      tpu.yield
    }) : () -> ()
    %add3A_7 = arith.constant 2048 : i32
    %add3A_8 = arith.addi %add3A_7, %mul3A_2 : i32
    "tpu.region"() ({
      %run_scoped3A = tpu.sem_alloc : memref<!tpu.dma_semaphore, #tpu.memory_space<semaphore_mem>>
      %dma_start3A = tpu.memref_slice %arg2[%add3A_8] : memref<4096xf32, #tpu.memory_space<hbm>> -> memref<32xf32, #tpu.memory_space<hbm>>
      %dma_start3A_307 = tpu.memref_slice %arg2[%add3A_8] : memref<4096xf32, #tpu.memory_space<hbm>> -> memref<32xf32, #tpu.memory_space<hbm>>
      tpu.enqueue_dma source(%dma_start3A_307 : memref<32xf32, #tpu.memory_space<hbm>>) target(%arg7 : memref<32xf32, #tpu.memory_space<vmem>>) target_semaphore(%run_scoped3A : memref<!tpu.dma_semaphore, #tpu.memory_space<semaphore_mem>>)
      %dma_wait3A = tpu.memref_slice %arg2[%add3A_8] : memref<4096xf32, #tpu.memory_space<hbm>> -> memref<32xf32, #tpu.memory_space<hbm>>
      %dma_wait3A_308 = tpu.memref_slice %arg2[%add3A_8] : memref<4096xf32, #tpu.memory_space<hbm>> -> memref<32xf32, #tpu.memory_space<hbm>>
      tpu.wait_dma2 semaphore(%run_scoped3A : memref<!tpu.dma_semaphore, #tpu.memory_space<semaphore_mem>>) src(%dma_wait3A_308 : memref<32xf32, #tpu.memory_space<hbm>>) dst(%arg7 : memref<32xf32, #tpu.memory_space<vmem>>)
      tpu.yield
    }) : () -> ()
    %add3A_9 = arith.constant 3072 : i32
    %add3A_10 = arith.addi %add3A_9, %mul3A_2 : i32
    "tpu.region"() ({
      %run_scoped3A = tpu.sem_alloc : memref<!tpu.dma_semaphore, #tpu.memory_space<semaphore_mem>>
      %dma_start3A = tpu.memref_slice %arg2[%add3A_10] : memref<4096xf32, #tpu.memory_space<hbm>> -> memref<32xf32, #tpu.memory_space<hbm>>
      %dma_start3A_307 = tpu.memref_slice %arg2[%add3A_10] : memref<4096xf32, #tpu.memory_space<hbm>> -> memref<32xf32, #tpu.memory_space<hbm>>
      tpu.enqueue_dma source(%dma_start3A_307 : memref<32xf32, #tpu.memory_space<hbm>>) target(%arg8 : memref<32xf32, #tpu.memory_space<vmem>>) target_semaphore(%run_scoped3A : memref<!tpu.dma_semaphore, #tpu.memory_space<semaphore_mem>>)
      %dma_wait3A = tpu.memref_slice %arg2[%add3A_10] : memref<4096xf32, #tpu.memory_space<hbm>> -> memref<32xf32, #tpu.memory_space<hbm>>
      %dma_wait3A_308 = tpu.memref_slice %arg2[%add3A_10] : memref<4096xf32, #tpu.memory_space<hbm>> -> memref<32xf32, #tpu.memory_space<hbm>>
      tpu.wait_dma2 semaphore(%run_scoped3A : memref<!tpu.dma_semaphore, #tpu.memory_space<semaphore_mem>>) src(%dma_wait3A_308 : memref<32xf32, #tpu.memory_space<hbm>>) dst(%arg8 : memref<32xf32, #tpu.memory_space<vmem>>)
      tpu.yield
    }) : () -> ()
    "tpu.region"() ({
      %run_scoped3A = tpu.sem_alloc : memref<!tpu.dma_semaphore, #tpu.memory_space<semaphore_mem>>
      tpu.enqueue_dma source(%arg3 : memref<96xf32, #tpu.memory_space<hbm>>) target(%arg9 : memref<96xf32, #tpu.memory_space<vmem>>) target_semaphore(%run_scoped3A : memref<!tpu.dma_semaphore, #tpu.memory_space<semaphore_mem>>)
      tpu.wait_dma2 semaphore(%run_scoped3A : memref<!tpu.dma_semaphore, #tpu.memory_space<semaphore_mem>>) src(%arg3 : memref<96xf32, #tpu.memory_space<hbm>>) dst(%arg9 : memref<96xf32, #tpu.memory_space<vmem>>)
      tpu.yield
    }) : () -> ()
    %get3A = arith.constant 0 : index
    %get3A_11 = tpu.vector_load %arg5[%get3A] {strides = array<i32>} : memref<32xf32, #tpu.memory_space<vmem>>, vector<16xf32>,
    %get3A_12 = vector.shape_cast %get3A_11 : vector<16xf32> to vector<16xf32>
    %get3A_13 = arith.constant 0 : index
    %get3A_14 = tpu.vector_load %arg6[%get3A_13] {strides = array<i32>} : memref<32xf32, #tpu.memory_space<vmem>>, vector<16xf32>,
    %get3A_15 = vector.shape_cast %get3A_14 : vector<16xf32> to vector<16xf32>
    %get3A_16 = arith.constant 0 : index
    %get3A_17 = tpu.vector_load %arg7[%get3A_16] {strides = array<i32>} : memref<32xf32, #tpu.memory_space<vmem>>, vector<16xf32>,
    %get3A_18 = vector.shape_cast %get3A_17 : vector<16xf32> to vector<16xf32>
    %get3A_19 = arith.constant 0 : index
    %get3A_20 = tpu.vector_load %arg8[%get3A_19] {strides = array<i32>} : memref<32xf32, #tpu.memory_space<vmem>>, vector<16xf32>,
    %get3A_21 = vector.shape_cast %get3A_20 : vector<16xf32> to vector<16xf32>
    %mul3A_22 = arith.constant 5.000000e-01 : f32
    %mul3A_23 = vector.broadcast %mul3A_22 : f32 to vector<16xf32>
    %mul3A_24 = arith.mulf %get3A_18, %mul3A_23 : vector<16xf32>
    %add3A_25 = arith.addf %get3A_12, %mul3A_24 : vector<16xf32>
    %mul3A_26 = arith.constant 5.000000e-01 : f32
    %mul3A_27 = vector.broadcast %mul3A_26 : f32 to vector<16xf32>
    %mul3A_28 = arith.mulf %get3A_21, %mul3A_27 : vector<16xf32>
    %add3A_29 = arith.addf %get3A_15, %mul3A_28 : vector<16xf32>
    %mul3A_30 = arith.constant 6.400000e+01 : f32
    %mul3A_31 = vector.broadcast %mul3A_30 : f32 to vector<16xf32>
    %mul3A_32 = arith.mulf %add3A_25, %mul3A_31 : vector<16xf32>
    %convert_element_type3A = arith.fptosi %mul3A_32 : vector<16xf32> to vector<16xi32>
    %mul3A_33 = arith.constant 6.400000e+01 : f32
    %mul3A_34 = vector.broadcast %mul3A_33 : f32 to vector<16xf32>
    %mul3A_35 = arith.mulf %add3A_29, %mul3A_34 : vector<16xf32>
    %convert_element_type3A_36 = arith.fptosi %mul3A_35 : vector<16xf32> to vector<16xi32>
    %get3A_37 = arith.constant 0 : index
    %get3A_38 = tpu.vector_load %arg9[%get3A_37] {strides = array<i32>} : memref<96xf32, #tpu.memory_space<vmem>>, vector<16xf32>,
    %get3A_39 = vector.shape_cast %get3A_38 : vector<16xf32> to vector<16xf32>
    %get3A_40 = arith.constant 16 : index
    %get3A_41 = tpu.vector_load %arg9[%get3A_40] {strides = array<i32>} : memref<96xf32, #tpu.memory_space<vmem>>, vector<16xf32>,
    %get3A_42 = vector.shape_cast %get3A_41 : vector<16xf32> to vector<16xf32>
    %get3A_43 = arith.constant 32 : index
    %get3A_44 = tpu.vector_load %arg9[%get3A_43] {strides = array<i32>} : memref<96xf32, #tpu.memory_space<vmem>>, vector<16xf32>,
    %get3A_45 = vector.shape_cast %get3A_44 : vector<16xf32> to vector<16xf32>
    %get3A_46 = arith.constant 48 : index
    %get3A_47 = tpu.vector_load %arg9[%get3A_46] {strides = array<i32>} : memref<96xf32, #tpu.memory_space<vmem>>, vector<16xf32>,
    %get3A_48 = vector.shape_cast %get3A_47 : vector<16xf32> to vector<16xf32>
    %get3A_49 = arith.constant 64 : index
    %get3A_50 = tpu.vector_load %arg9[%get3A_49] {strides = array<i32>} : memref<96xf32, #tpu.memory_space<vmem>>, vector<16xf32>,
    %get3A_51 = vector.shape_cast %get3A_50 : vector<16xf32> to vector<16xf32>
    %get3A_52 = arith.constant 80 : index
    %get3A_53 = tpu.vector_load %arg9[%get3A_52] {strides = array<i32>} : memref<96xf32, #tpu.memory_space<vmem>>, vector<16xf32>,
    %get3A_54 = vector.shape_cast %get3A_53 : vector<16xf32> to vector<16xf32>
    %div3A = arith.divf %get3A_18, %get3A_39 : vector<16xf32>
    %div3A_55 = arith.divf %get3A_39, %get3A_18 : vector<16xf32>
    %max3A = arith.maximumf %div3A, %div3A_55 : vector<16xf32>
    %div3A_56 = arith.divf %get3A_21, %get3A_42 : vector<16xf32>
    %div3A_57 = arith.divf %get3A_42, %get3A_21 : vector<16xf32>
    %max3A_58 = arith.maximumf %div3A_56, %div3A_57 : vector<16xf32>
    %mul3A_59 = arith.mulf %max3A, %max3A_58 : vector<16xf32>
    %div3A_60 = arith.divf %get3A_18, %get3A_45 : vector<16xf32>
    %div3A_61 = arith.divf %get3A_45, %get3A_18 : vector<16xf32>
    %max3A_62 = arith.maximumf %div3A_60, %div3A_61 : vector<16xf32>
    %div3A_63 = arith.divf %get3A_21, %get3A_48 : vector<16xf32>
    %div3A_64 = arith.divf %get3A_48, %get3A_21 : vector<16xf32>
    %max3A_65 = arith.maximumf %div3A_63, %div3A_64 : vector<16xf32>
    %mul3A_66 = arith.mulf %max3A_62, %max3A_65 : vector<16xf32>
    %div3A_67 = arith.divf %get3A_18, %get3A_51 : vector<16xf32>
    %div3A_68 = arith.divf %get3A_51, %get3A_18 : vector<16xf32>
    %max3A_69 = arith.maximumf %div3A_67, %div3A_68 : vector<16xf32>
    %div3A_70 = arith.divf %get3A_21, %get3A_54 : vector<16xf32>
    %div3A_71 = arith.divf %get3A_54, %get3A_21 : vector<16xf32>
    %max3A_72 = arith.maximumf %div3A_70, %div3A_71 : vector<16xf32>
    %mul3A_73 = arith.mulf %max3A_69, %max3A_72 : vector<16xf32>
    %sub3A = arith.subf %mul3A_66, %mul3A_59 : vector<16xf32>
    %sign3A = tpu.bitcast %sub3A : vector<16xf32> -> vector<16xi32>
    %sign3A_74 = arith.constant -2147483648 : i32
    %sign3A_75 = vector.broadcast %sign3A_74 : i32 to vector<16xi32>
    %sign3A_76 = arith.andi %sign3A, %sign3A_75 : vector<16xi32>
    %sign3A_77 = arith.constant 1065353216 : i32
    %sign3A_78 = vector.broadcast %sign3A_77 : i32 to vector<16xi32>
    %sign3A_79 = arith.ori %sign3A_78, %sign3A_76 : vector<16xi32>
    %sign3A_80 = tpu.bitcast %sign3A_79 : vector<16xi32> -> vector<16xf32>
    %sign3A_81 = math.absf %sub3A : vector<16xf32>
    %sign3A_82 = arith.constant 0.000000e+00 : f32
    %sign3A_83 = vector.broadcast %sign3A_82 : f32 to vector<16xf32>
    %sign3A_84 = arith.cmpf ogt, %sign3A_81, %sign3A_83 : vector<16xf32>
    %sign3A_85 = arith.select %sign3A_84, %sign3A_80, %sub3A : vector<16xi1>, vector<16xf32>
    %add3A_86 = arith.constant 1.000000e+00 : f32
    %add3A_87 = vector.broadcast %add3A_86 : f32 to vector<16xf32>
    %add3A_88 = arith.addf %sign3A_85, %add3A_87 : vector<16xf32>
    %min3A = arith.constant 1.000000e+00 : f32
    %min3A_89 = vector.broadcast %min3A : f32 to vector<16xf32>
    %min3A_90 = arith.minimumf %add3A_88, %min3A_89 : vector<16xf32>
    %sub3A_91 = arith.subf %mul3A_73, %mul3A_59 : vector<16xf32>
    %sign3A_92 = tpu.bitcast %sub3A_91 : vector<16xf32> -> vector<16xi32>
    %sign3A_93 = arith.constant -2147483648 : i32
    %sign3A_94 = vector.broadcast %sign3A_93 : i32 to vector<16xi32>
    %sign3A_95 = arith.andi %sign3A_92, %sign3A_94 : vector<16xi32>
    %sign3A_96 = arith.constant 1065353216 : i32
    %sign3A_97 = vector.broadcast %sign3A_96 : i32 to vector<16xi32>
    %sign3A_98 = arith.ori %sign3A_97, %sign3A_95 : vector<16xi32>
    %sign3A_99 = tpu.bitcast %sign3A_98 : vector<16xi32> -> vector<16xf32>
    %sign3A_100 = math.absf %sub3A_91 : vector<16xf32>
    %sign3A_101 = arith.constant 0.000000e+00 : f32
    %sign3A_102 = vector.broadcast %sign3A_101 : f32 to vector<16xf32>
    %sign3A_103 = arith.cmpf ogt, %sign3A_100, %sign3A_102 : vector<16xf32>
    %sign3A_104 = arith.select %sign3A_103, %sign3A_99, %sub3A_91 : vector<16xi1>, vector<16xf32>
    %add3A_105 = arith.constant 1.000000e+00 : f32
    %add3A_106 = vector.broadcast %add3A_105 : f32 to vector<16xf32>
    %add3A_107 = arith.addf %sign3A_104, %add3A_106 : vector<16xf32>
    %min3A_108 = arith.constant 1.000000e+00 : f32
    %min3A_109 = vector.broadcast %min3A_108 : f32 to vector<16xf32>
    %min3A_110 = arith.minimumf %add3A_107, %min3A_109 : vector<16xf32>
    %sub3A_111 = arith.subf %mul3A_73, %mul3A_66 : vector<16xf32>
    %sign3A_112 = tpu.bitcast %sub3A_111 : vector<16xf32> -> vector<16xi32>
    %sign3A_113 = arith.constant -2147483648 : i32
    %sign3A_114 = vector.broadcast %sign3A_113 : i32 to vector<16xi32>
    %sign3A_115 = arith.andi %sign3A_112, %sign3A_114 : vector<16xi32>
    %sign3A_116 = arith.constant 1065353216 : i32
    %sign3A_117 = vector.broadcast %sign3A_116 : i32 to vector<16xi32>
    %sign3A_118 = arith.ori %sign3A_117, %sign3A_115 : vector<16xi32>
    %sign3A_119 = tpu.bitcast %sign3A_118 : vector<16xi32> -> vector<16xf32>
    %sign3A_120 = math.absf %sub3A_111 : vector<16xf32>
    %sign3A_121 = arith.constant 0.000000e+00 : f32
    %sign3A_122 = vector.broadcast %sign3A_121 : f32 to vector<16xf32>
    %sign3A_123 = arith.cmpf ogt, %sign3A_120, %sign3A_122 : vector<16xf32>
    %sign3A_124 = arith.select %sign3A_123, %sign3A_119, %sub3A_111 : vector<16xi1>, vector<16xf32>
    %add3A_125 = arith.constant 1.000000e+00 : f32
    %add3A_126 = vector.broadcast %add3A_125 : f32 to vector<16xf32>
    %add3A_127 = arith.addf %sign3A_124, %add3A_126 : vector<16xf32>
    %min3A_128 = arith.constant 1.000000e+00 : f32
    %min3A_129 = vector.broadcast %min3A_128 : f32 to vector<16xf32>
    %min3A_130 = arith.minimumf %add3A_127, %min3A_129 : vector<16xf32>
    %mul3A_131 = arith.mulf %min3A_90, %min3A_110 : vector<16xf32>
    %sub3A_132 = arith.constant 1.000000e+00 : f32
    %sub3A_133 = vector.broadcast %sub3A_132 : f32 to vector<16xf32>
    %sub3A_134 = arith.subf %sub3A_133, %mul3A_131 : vector<16xf32>
    %sub3A_135 = arith.constant 1.000000e+00 : f32
    %sub3A_136 = vector.broadcast %sub3A_135 : f32 to vector<16xf32>
    %sub3A_137 = arith.subf %sub3A_136, %min3A_130 : vector<16xf32>
    %mul3A_138 = arith.constant 2.000000e+00 : f32
    %mul3A_139 = vector.broadcast %mul3A_138 : f32 to vector<16xf32>
    %mul3A_140 = arith.mulf %mul3A_139, %sub3A_137 : vector<16xf32>
    %add3A_141 = arith.addf %min3A_130, %mul3A_140 : vector<16xf32>
    %mul3A_142 = arith.mulf %sub3A_134, %add3A_141 : vector<16xf32>
    %mul3A_143 = arith.constant 64 : i32
    %mul3A_144 = vector.broadcast %mul3A_143 : i32 to vector<16xi32>
    %mul3A_145 = arith.muli %convert_element_type3A_36, %mul3A_144 : vector<16xi32>
    %add3A_146 = arith.addi %mul3A_145, %convert_element_type3A : vector<16xi32>
    %convert_element_type3A_147 = arith.fptosi %mul3A_142 : vector<16xf32> to vector<16xi32>
    %mul3A_148 = arith.constant 4096 : i32
    %mul3A_149 = vector.broadcast %mul3A_148 : i32 to vector<16xi32>
    %mul3A_150 = arith.muli %mul3A_149, %convert_element_type3A_147 : vector<16xi32>
    %add3A_151 = arith.addi %add3A_146, %mul3A_150 : vector<16xi32>
    %swap3A = arith.constant 0 : index
    %swap3A_152 = tpu.vector_load %arg10[%swap3A] {strides = array<i32>} : memref<32xi32, #tpu.memory_space<vmem>>, vector<16xi32>,
    %swap3A_153 = vector.shape_cast %swap3A_152 : vector<16xi32> to vector<16xi32>
    %swap3A_154 = vector.shape_cast %add3A_151 : vector<16xi32> to vector<16xi32>
    tpu.vector_store %arg10[%swap3A], %swap3A_154 {strides = array<i32>} : memref<32xi32, #tpu.memory_space<vmem>>, vector<16xi32>,
    %get3A_155 = arith.constant 16 : index
    %get3A_156 = tpu.vector_load %arg5[%get3A_155] {strides = array<i32>} : memref<32xf32, #tpu.memory_space<vmem>>, vector<16xf32>,
    %get3A_157 = vector.shape_cast %get3A_156 : vector<16xf32> to vector<16xf32>
    %get3A_158 = arith.constant 16 : index
    %get3A_159 = tpu.vector_load %arg6[%get3A_158] {strides = array<i32>} : memref<32xf32, #tpu.memory_space<vmem>>, vector<16xf32>,
    %get3A_160 = vector.shape_cast %get3A_159 : vector<16xf32> to vector<16xf32>
    %get3A_161 = arith.constant 16 : index
    %get3A_162 = tpu.vector_load %arg7[%get3A_161] {strides = array<i32>} : memref<32xf32, #tpu.memory_space<vmem>>, vector<16xf32>,
    %get3A_163 = vector.shape_cast %get3A_162 : vector<16xf32> to vector<16xf32>
    %get3A_164 = arith.constant 16 : index
    %get3A_165 = tpu.vector_load %arg8[%get3A_164] {strides = array<i32>} : memref<32xf32, #tpu.memory_space<vmem>>, vector<16xf32>,
    %get3A_166 = vector.shape_cast %get3A_165 : vector<16xf32> to vector<16xf32>
    %mul3A_167 = arith.constant 5.000000e-01 : f32
    %mul3A_168 = vector.broadcast %mul3A_167 : f32 to vector<16xf32>
    %mul3A_169 = arith.mulf %get3A_163, %mul3A_168 : vector<16xf32>
    %add3A_170 = arith.addf %get3A_157, %mul3A_169 : vector<16xf32>
    %mul3A_171 = arith.constant 5.000000e-01 : f32
    %mul3A_172 = vector.broadcast %mul3A_171 : f32 to vector<16xf32>
    %mul3A_173 = arith.mulf %get3A_166, %mul3A_172 : vector<16xf32>
    %add3A_174 = arith.addf %get3A_160, %mul3A_173 : vector<16xf32>
    %mul3A_175 = arith.constant 6.400000e+01 : f32
    %mul3A_176 = vector.broadcast %mul3A_175 : f32 to vector<16xf32>
    %mul3A_177 = arith.mulf %add3A_170, %mul3A_176 : vector<16xf32>
    %convert_element_type3A_178 = arith.fptosi %mul3A_177 : vector<16xf32> to vector<16xi32>
    %mul3A_179 = arith.constant 6.400000e+01 : f32
    %mul3A_180 = vector.broadcast %mul3A_179 : f32 to vector<16xf32>
    %mul3A_181 = arith.mulf %add3A_174, %mul3A_180 : vector<16xf32>
    %convert_element_type3A_182 = arith.fptosi %mul3A_181 : vector<16xf32> to vector<16xi32>
    %get3A_183 = arith.constant 0 : index
    %get3A_184 = tpu.vector_load %arg9[%get3A_183] {strides = array<i32>} : memref<96xf32, #tpu.memory_space<vmem>>, vector<16xf32>,
    %get3A_185 = vector.shape_cast %get3A_184 : vector<16xf32> to vector<16xf32>
    %get3A_186 = arith.constant 16 : index
    %get3A_187 = tpu.vector_load %arg9[%get3A_186] {strides = array<i32>} : memref<96xf32, #tpu.memory_space<vmem>>, vector<16xf32>,
    %get3A_188 = vector.shape_cast %get3A_187 : vector<16xf32> to vector<16xf32>
    %get3A_189 = arith.constant 32 : index
    %get3A_190 = tpu.vector_load %arg9[%get3A_189] {strides = array<i32>} : memref<96xf32, #tpu.memory_space<vmem>>, vector<16xf32>,
    %get3A_191 = vector.shape_cast %get3A_190 : vector<16xf32> to vector<16xf32>
    %get3A_192 = arith.constant 48 : index
    %get3A_193 = tpu.vector_load %arg9[%get3A_192] {strides = array<i32>} : memref<96xf32, #tpu.memory_space<vmem>>, vector<16xf32>,
    %get3A_194 = vector.shape_cast %get3A_193 : vector<16xf32> to vector<16xf32>
    %get3A_195 = arith.constant 64 : index
    %get3A_196 = tpu.vector_load %arg9[%get3A_195] {strides = array<i32>} : memref<96xf32, #tpu.memory_space<vmem>>, vector<16xf32>,
    %get3A_197 = vector.shape_cast %get3A_196 : vector<16xf32> to vector<16xf32>
    %get3A_198 = arith.constant 80 : index
    %get3A_199 = tpu.vector_load %arg9[%get3A_198] {strides = array<i32>} : memref<96xf32, #tpu.memory_space<vmem>>, vector<16xf32>,
    %get3A_200 = vector.shape_cast %get3A_199 : vector<16xf32> to vector<16xf32>
    %div3A_201 = arith.divf %get3A_163, %get3A_185 : vector<16xf32>
    %div3A_202 = arith.divf %get3A_185, %get3A_163 : vector<16xf32>
    %max3A_203 = arith.maximumf %div3A_201, %div3A_202 : vector<16xf32>
    %div3A_204 = arith.divf %get3A_166, %get3A_188 : vector<16xf32>
    %div3A_205 = arith.divf %get3A_188, %get3A_166 : vector<16xf32>
    %max3A_206 = arith.maximumf %div3A_204, %div3A_205 : vector<16xf32>
    %mul3A_207 = arith.mulf %max3A_203, %max3A_206 : vector<16xf32>
    %div3A_208 = arith.divf %get3A_163, %get3A_191 : vector<16xf32>
    %div3A_209 = arith.divf %get3A_191, %get3A_163 : vector<16xf32>
    %max3A_210 = arith.maximumf %div3A_208, %div3A_209 : vector<16xf32>
    %div3A_211 = arith.divf %get3A_166, %get3A_194 : vector<16xf32>
    %div3A_212 = arith.divf %get3A_194, %get3A_166 : vector<16xf32>
    %max3A_213 = arith.maximumf %div3A_211, %div3A_212 : vector<16xf32>
    %mul3A_214 = arith.mulf %max3A_210, %max3A_213 : vector<16xf32>
    %div3A_215 = arith.divf %get3A_163, %get3A_197 : vector<16xf32>
    %div3A_216 = arith.divf %get3A_197, %get3A_163 : vector<16xf32>
    %max3A_217 = arith.maximumf %div3A_215, %div3A_216 : vector<16xf32>
    %div3A_218 = arith.divf %get3A_166, %get3A_200 : vector<16xf32>
    %div3A_219 = arith.divf %get3A_200, %get3A_166 : vector<16xf32>
    %max3A_220 = arith.maximumf %div3A_218, %div3A_219 : vector<16xf32>
    %mul3A_221 = arith.mulf %max3A_217, %max3A_220 : vector<16xf32>
    %sub3A_222 = arith.subf %mul3A_214, %mul3A_207 : vector<16xf32>
    %sign3A_223 = tpu.bitcast %sub3A_222 : vector<16xf32> -> vector<16xi32>
    %sign3A_224 = arith.constant -2147483648 : i32
    %sign3A_225 = vector.broadcast %sign3A_224 : i32 to vector<16xi32>
    %sign3A_226 = arith.andi %sign3A_223, %sign3A_225 : vector<16xi32>
    %sign3A_227 = arith.constant 1065353216 : i32
    %sign3A_228 = vector.broadcast %sign3A_227 : i32 to vector<16xi32>
    %sign3A_229 = arith.ori %sign3A_228, %sign3A_226 : vector<16xi32>
    %sign3A_230 = tpu.bitcast %sign3A_229 : vector<16xi32> -> vector<16xf32>
    %sign3A_231 = math.absf %sub3A_222 : vector<16xf32>
    %sign3A_232 = arith.constant 0.000000e+00 : f32
    %sign3A_233 = vector.broadcast %sign3A_232 : f32 to vector<16xf32>
    %sign3A_234 = arith.cmpf ogt, %sign3A_231, %sign3A_233 : vector<16xf32>
    %sign3A_235 = arith.select %sign3A_234, %sign3A_230, %sub3A_222 : vector<16xi1>, vector<16xf32>
    %add3A_236 = arith.constant 1.000000e+00 : f32
    %add3A_237 = vector.broadcast %add3A_236 : f32 to vector<16xf32>
    %add3A_238 = arith.addf %sign3A_235, %add3A_237 : vector<16xf32>
    %min3A_239 = arith.constant 1.000000e+00 : f32
    %min3A_240 = vector.broadcast %min3A_239 : f32 to vector<16xf32>
    %min3A_241 = arith.minimumf %add3A_238, %min3A_240 : vector<16xf32>
    %sub3A_242 = arith.subf %mul3A_221, %mul3A_207 : vector<16xf32>
    %sign3A_243 = tpu.bitcast %sub3A_242 : vector<16xf32> -> vector<16xi32>
    %sign3A_244 = arith.constant -2147483648 : i32
    %sign3A_245 = vector.broadcast %sign3A_244 : i32 to vector<16xi32>
    %sign3A_246 = arith.andi %sign3A_243, %sign3A_245 : vector<16xi32>
    %sign3A_247 = arith.constant 1065353216 : i32
    %sign3A_248 = vector.broadcast %sign3A_247 : i32 to vector<16xi32>
    %sign3A_249 = arith.ori %sign3A_248, %sign3A_246 : vector<16xi32>
    %sign3A_250 = tpu.bitcast %sign3A_249 : vector<16xi32> -> vector<16xf32>
    %sign3A_251 = math.absf %sub3A_242 : vector<16xf32>
    %sign3A_252 = arith.constant 0.000000e+00 : f32
    %sign3A_253 = vector.broadcast %sign3A_252 : f32 to vector<16xf32>
    %sign3A_254 = arith.cmpf ogt, %sign3A_251, %sign3A_253 : vector<16xf32>
    %sign3A_255 = arith.select %sign3A_254, %sign3A_250, %sub3A_242 : vector<16xi1>, vector<16xf32>
    %add3A_256 = arith.constant 1.000000e+00 : f32
    %add3A_257 = vector.broadcast %add3A_256 : f32 to vector<16xf32>
    %add3A_258 = arith.addf %sign3A_255, %add3A_257 : vector<16xf32>
    %min3A_259 = arith.constant 1.000000e+00 : f32
    %min3A_260 = vector.broadcast %min3A_259 : f32 to vector<16xf32>
    %min3A_261 = arith.minimumf %add3A_258, %min3A_260 : vector<16xf32>
    %sub3A_262 = arith.subf %mul3A_221, %mul3A_214 : vector<16xf32>
    %sign3A_263 = tpu.bitcast %sub3A_262 : vector<16xf32> -> vector<16xi32>
    %sign3A_264 = arith.constant -2147483648 : i32
    %sign3A_265 = vector.broadcast %sign3A_264 : i32 to vector<16xi32>
    %sign3A_266 = arith.andi %sign3A_263, %sign3A_265 : vector<16xi32>
    %sign3A_267 = arith.constant 1065353216 : i32
    %sign3A_268 = vector.broadcast %sign3A_267 : i32 to vector<16xi32>
    %sign3A_269 = arith.ori %sign3A_268, %sign3A_266 : vector<16xi32>
    %sign3A_270 = tpu.bitcast %sign3A_269 : vector<16xi32> -> vector<16xf32>
    %sign3A_271 = math.absf %sub3A_262 : vector<16xf32>
    %sign3A_272 = arith.constant 0.000000e+00 : f32
    %sign3A_273 = vector.broadcast %sign3A_272 : f32 to vector<16xf32>
    %sign3A_274 = arith.cmpf ogt, %sign3A_271, %sign3A_273 : vector<16xf32>
    %sign3A_275 = arith.select %sign3A_274, %sign3A_270, %sub3A_262 : vector<16xi1>, vector<16xf32>
    %add3A_276 = arith.constant 1.000000e+00 : f32
    %add3A_277 = vector.broadcast %add3A_276 : f32 to vector<16xf32>
    %add3A_278 = arith.addf %sign3A_275, %add3A_277 : vector<16xf32>
    %min3A_279 = arith.constant 1.000000e+00 : f32
    %min3A_280 = vector.broadcast %min3A_279 : f32 to vector<16xf32>
    %min3A_281 = arith.minimumf %add3A_278, %min3A_280 : vector<16xf32>
    %mul3A_282 = arith.mulf %min3A_241, %min3A_261 : vector<16xf32>
    %sub3A_283 = arith.constant 1.000000e+00 : f32
    %sub3A_284 = vector.broadcast %sub3A_283 : f32 to vector<16xf32>
    %sub3A_285 = arith.subf %sub3A_284, %mul3A_282 : vector<16xf32>
    %sub3A_286 = arith.constant 1.000000e+00 : f32
    %sub3A_287 = vector.broadcast %sub3A_286 : f32 to vector<16xf32>
    %sub3A_288 = arith.subf %sub3A_287, %min3A_281 : vector<16xf32>
    %mul3A_289 = arith.constant 2.000000e+00 : f32
    %mul3A_290 = vector.broadcast %mul3A_289 : f32 to vector<16xf32>
    %mul3A_291 = arith.mulf %mul3A_290, %sub3A_288 : vector<16xf32>
    %add3A_292 = arith.addf %min3A_281, %mul3A_291 : vector<16xf32>
    %mul3A_293 = arith.mulf %sub3A_285, %add3A_292 : vector<16xf32>
    %mul3A_294 = arith.constant 64 : i32
    %mul3A_295 = vector.broadcast %mul3A_294 : i32 to vector<16xi32>
    %mul3A_296 = arith.muli %convert_element_type3A_182, %mul3A_295 : vector<16xi32>
    %add3A_297 = arith.addi %mul3A_296, %convert_element_type3A_178 : vector<16xi32>
    %convert_element_type3A_298 = arith.fptosi %mul3A_293 : vector<16xf32> to vector<16xi32>
    %mul3A_299 = arith.constant 4096 : i32
    %mul3A_300 = vector.broadcast %mul3A_299 : i32 to vector<16xi32>
    %mul3A_301 = arith.muli %mul3A_300, %convert_element_type3A_298 : vector<16xi32>
    %add3A_302 = arith.addi %add3A_297, %mul3A_301 : vector<16xi32>
    %swap3A_303 = arith.constant 16 : index
    %swap3A_304 = tpu.vector_load %arg10[%swap3A_303] {strides = array<i32>} : memref<32xi32, #tpu.memory_space<vmem>>, vector<16xi32>,
    %swap3A_305 = vector.shape_cast %swap3A_304 : vector<16xi32> to vector<16xi32>
    %swap3A_306 = vector.shape_cast %add3A_302 : vector<16xi32> to vector<16xi32>
    tpu.vector_store %arg10[%swap3A_303], %swap3A_306 {strides = array<i32>} : memref<32xi32, #tpu.memory_space<vmem>>, vector<16xi32>,
    "tpu.region"() ({
      %run_scoped3A = tpu.sem_alloc : memref<!tpu.dma_semaphore, #tpu.memory_space<semaphore_mem>>
      %dma_start3A = tpu.memref_slice %arg4[%mul3A_2] : memref<1024xi32, #tpu.memory_space<hbm>> -> memref<32xi32, #tpu.memory_space<hbm>>
      %dma_start3A_307 = tpu.memref_slice %arg4[%mul3A_2] : memref<1024xi32, #tpu.memory_space<hbm>> -> memref<32xi32, #tpu.memory_space<hbm>>
      tpu.enqueue_dma source(%arg10 : memref<32xi32, #tpu.memory_space<vmem>>) target(%dma_start3A_307 : memref<32xi32, #tpu.memory_space<hbm>>) target_semaphore(%run_scoped3A : memref<!tpu.dma_semaphore, #tpu.memory_space<semaphore_mem>>)
      %dma_wait3A = tpu.memref_slice %arg4[%mul3A_2] : memref<1024xi32, #tpu.memory_space<hbm>> -> memref<32xi32, #tpu.memory_space<hbm>>
      %dma_wait3A_308 = tpu.memref_slice %arg4[%mul3A_2] : memref<1024xi32, #tpu.memory_space<hbm>> -> memref<32xi32, #tpu.memory_space<hbm>>
      tpu.wait_dma2 semaphore(%run_scoped3A : memref<!tpu.dma_semaphore, #tpu.memory_space<semaphore_mem>>) src(%arg10 : memref<32xi32, #tpu.memory_space<vmem>>) dst(%dma_wait3A_308 : memref<32xi32, #tpu.memory_space<hbm>>)
      tpu.yield
    }) : () -> ()
    return
  }
}

module attributes {stable_mosaic.version = 14 : i64} {
  func.func @_loss_body(%arg0: i32, %arg1: memref<1x4096x255xf32, #tpu.memory_space<vmem>>, %arg2: memref<1x64x4xf32, #tpu.memory_space<vmem>>, %arg3: memref<1x64x1xi32, #tpu.memory_space<vmem>>, %arg4: memref<1x64x1xi32, #tpu.memory_space<vmem>>, %arg5: memref<3x2xf32, #tpu.memory_space<vmem>>, %arg6: memref<8x128xf32, #tpu.memory_space<vmem>>) attributes {dimension_semantics = [#tpu.dimension_semantics<arbitrary>], iteration_bounds = array<i64: 16>, scalar_prefetch = 0 : i64, scratch_operands = 0 : i64, tpu.core_type = #tpu.core_type<tc>, window_params = [{transform_indices = @transform_0, window_bounds = array<i64: 1, 4096, 255>}, {transform_indices = @transform_1, window_bounds = array<i64: 1, 64, 4>}, {transform_indices = @transform_2, window_bounds = array<i64: 1, 64, 1>}, {transform_indices = @transform_3, window_bounds = array<i64: 1, 64, 1>}, {pipeline_mode = #tpu.pipeline_mode<synchronous>, transform_indices = @transform_4, window_bounds = array<i64: 3, 2>}, {pipeline_mode = #tpu.pipeline_mode<synchronous>, transform_indices = @transform_5, window_bounds = array<i64: 8, 128>}]} {
    %eq3A = arith.constant 0 : i32
    %eq3A_0 = arith.cmpi eq, %arg0, %eq3A : i32
    %convert_element_type3A = arith.extui %eq3A_0 : i1 to i32
    %cond3A = arith.constant 0 : i32
    %cond3A_1 = arith.cmpi ne, %convert_element_type3A, %cond3A : i32
    scf.if %cond3A_1 {
      %broadcast_in_dim3A_385 = arith.constant 0.000000e+00 : f32
      %broadcast_in_dim3A_386 = vector.broadcast %broadcast_in_dim3A_385 : f32 to vector<8x128xf32>
      %swap3A_387 = arith.constant 0 : index
      %swap3A_388 = arith.constant 0 : index
      %swap3A_389 = vector.load %arg6[%swap3A_387, %swap3A_388] : memref<8x128xf32, #tpu.memory_space<vmem>>, vector<8x128xf32>
      tpu.vector_store %arg6[%swap3A_387, %swap3A_388], %broadcast_in_dim3A_386 {strides = array<i32>} : memref<8x128xf32, #tpu.memory_space<vmem>>, vector<8x128xf32>,
    } else {
    }
    %get3A = arith.constant 0 : index
    %get3A_2 = arith.constant 0 : index
    %get3A_3 = vector.load %arg5[%get3A, %get3A_2] : memref<3x2xf32, #tpu.memory_space<vmem>>, vector<3x2xf32>
    %get3A_4 = arith.constant 0 : index
    %get3A_5 = arith.constant 0 : index
    %get3A_6 = arith.constant 0 : index
    %get3A_7 = vector.load %arg1[%get3A_4, %get3A_5, %get3A_6] : memref<1x4096x255xf32, #tpu.memory_space<vmem>>, vector<1x4096x255xf32>
    %get3A_8 = vector.shape_cast %get3A_7 : vector<1x4096x255xf32> to vector<4096x255xf32>
    %get3A_9 = arith.constant 0 : index
    %get3A_10 = arith.constant 0 : index
    %get3A_11 = arith.constant 0 : index
    %get3A_12 = vector.load %arg2[%get3A_9, %get3A_10, %get3A_11] : memref<1x64x4xf32, #tpu.memory_space<vmem>>, vector<1x64x4xf32>
    %get3A_13 = vector.shape_cast %get3A_12 : vector<1x64x4xf32> to vector<64x4xf32>
    %get3A_14 = arith.constant 0 : index
    %get3A_15 = arith.constant 0 : index
    %get3A_16 = arith.constant 0 : index
    %get3A_17 = vector.load %arg3[%get3A_14, %get3A_15, %get3A_16] : memref<1x64x1xi32, #tpu.memory_space<vmem>>, vector<1x64x1xi32>
    %get3A_18 = vector.shape_cast %get3A_17 : vector<1x64x1xi32> to vector<64x1xi32>
    %get3A_19 = arith.constant 0 : index
    %get3A_20 = arith.constant 0 : index
    %get3A_21 = arith.constant 0 : index
    %get3A_22 = vector.load %arg4[%get3A_19, %get3A_20, %get3A_21] : memref<1x64x1xi32, #tpu.memory_space<vmem>>, vector<1x64x1xi32>
    %get3A_23 = vector.shape_cast %get3A_22 : vector<1x64x1xi32> to vector<64x1xi32>
    %jit3A = arith.constant 4096 : i32
    %eq3A_24 = arith.constant 0 : i32
    %eq3A_25 = arith.cmpi eq, %jit3A, %eq3A_24 : i32
    %jit3A_26 = arith.constant 1 : i32
    %select_n3A = arith.select %eq3A_25, %jit3A_26, %jit3A : i32
    %rem3A = vector.broadcast %select_n3A : i32 to vector<64x1xi32>
    %rem3A_27 = arith.remsi %get3A_23, %rem3A : vector<64x1xi32>
    %ne3A = arith.constant 0 : i32
    %ne3A_28 = vector.broadcast %ne3A : i32 to vector<64x1xi32>
    %ne3A_29 = arith.cmpi ne, %rem3A_27, %ne3A_28 : vector<64x1xi32>
    %lt3A = arith.constant 0 : i32
    %lt3A_30 = vector.broadcast %lt3A : i32 to vector<64x1xi32>
    %lt3A_31 = arith.cmpi slt, %rem3A_27, %lt3A_30 : vector<64x1xi32>
    %lt3A_32 = arith.constant 0 : i32
    %lt3A_33 = arith.cmpi slt, %select_n3A, %lt3A_32 : i32
    %ne3A_34 = vector.broadcast %lt3A_33 : i1 to vector<64x1xi1>
    %ne3A_35 = vector.broadcast %ne3A_34 : vector<64x1xi1> to vector<64x1xi1>
    %ne3A_36 = arith.xori %lt3A_31, %ne3A_35 : vector<64x1xi1>
    %and3A = arith.andi %ne3A_36, %ne3A_29 : vector<64x1xi1>
    %add3A = vector.broadcast %select_n3A : i32 to vector<64x1xi32>
    %add3A_37 = arith.addi %rem3A_27, %add3A : vector<64x1xi32>
    %select_n3A_38 = arith.select %and3A, %add3A_37, %rem3A_27 : vector<64x1xi1>, vector<64x1xi32>
    %jit3A_39 = arith.constant 4096 : i32
    %div3A = vector.broadcast %jit3A_39 : i32 to vector<64x1xi32>
    %div3A_40 = arith.divsi %get3A_23, %div3A : vector<64x1xi32>
    %sign3A = arith.constant 0 : i32
    %sign3A_41 = vector.broadcast %sign3A : i32 to vector<64x1xi32>
    %sign3A_42 = arith.cmpi sgt, %get3A_23, %sign3A_41 : vector<64x1xi32>
    %sign3A_43 = arith.extui %sign3A_42 : vector<64x1xi1> to vector<64x1xi32>
    %sign3A_44 = arith.constant 0 : i32
    %sign3A_45 = vector.broadcast %sign3A_44 : i32 to vector<64x1xi32>
    %sign3A_46 = arith.cmpi slt, %get3A_23, %sign3A_45 : vector<64x1xi32>
    %sign3A_47 = arith.extui %sign3A_46 : vector<64x1xi1> to vector<64x1xi32>
    %sign3A_48 = arith.subi %sign3A_43, %sign3A_47 : vector<64x1xi32>
    %sign3A_49 = arith.constant 0 : i32
    %sign3A_50 = arith.cmpi sgt, %jit3A_39, %sign3A_49 : i32
    %sign3A_51 = arith.extui %sign3A_50 : i1 to i32
    %sign3A_52 = arith.constant 0 : i32
    %sign3A_53 = arith.cmpi slt, %jit3A_39, %sign3A_52 : i32
    %sign3A_54 = arith.extui %sign3A_53 : i1 to i32
    %sign3A_55 = arith.subi %sign3A_51, %sign3A_54 : i32
    %ne3A_56 = vector.broadcast %sign3A_55 : i32 to vector<64x1xi32>
    %ne3A_57 = arith.cmpi ne, %sign3A_48, %ne3A_56 : vector<64x1xi32>
    %rem3A_58 = vector.broadcast %jit3A_39 : i32 to vector<64x1xi32>
    %rem3A_59 = arith.remsi %get3A_23, %rem3A_58 : vector<64x1xi32>
    %ne3A_60 = arith.constant 0 : i32
    %ne3A_61 = vector.broadcast %ne3A_60 : i32 to vector<64x1xi32>
    %ne3A_62 = arith.cmpi ne, %rem3A_59, %ne3A_61 : vector<64x1xi32>
    %and3A_63 = arith.andi %ne3A_57, %ne3A_62 : vector<64x1xi1>
    %sub3A = arith.constant 1 : i32
    %sub3A_64 = vector.broadcast %sub3A : i32 to vector<64x1xi32>
    %sub3A_65 = arith.subi %div3A_40, %sub3A_64 : vector<64x1xi32>
    %select_n3A_66 = arith.select %and3A_63, %sub3A_65, %div3A_40 : vector<64x1xi1>, vector<64x1xi32>
    %div3A_67 = arith.constant 1.000000e+00 : f32
    %div3A_68 = arith.constant 6.400000e+01 : f32
    %div3A_69 = arith.divf %div3A_67, %div3A_68 : f32
    %slice3A = vector.extract_strided_slice %get3A_13 {offsets = [0, 0], sizes = [64, 2], strides = [1, 1]} : vector<64x4xf32> to vector<64x2xf32>
    %slice3A_70 = vector.extract_strided_slice %get3A_13 {offsets = [0, 2], sizes = [64, 2], strides = [1, 1]} : vector<64x4xf32> to vector<64x2xf32>
    %mul3A = arith.constant 5.000000e-01 : f32
    %mul3A_71 = vector.broadcast %mul3A : f32 to vector<64x2xf32>
    %mul3A_72 = arith.mulf %slice3A_70, %mul3A_71 : vector<64x2xf32>
    %add3A_73 = arith.addf %slice3A, %mul3A_72 : vector<64x2xf32>
    %jit3A_74 = arith.constant 64 : i32
    %eq3A_75 = arith.constant 0 : i32
    %eq3A_76 = arith.cmpi eq, %jit3A_74, %eq3A_75 : i32
    %jit3A_77 = arith.constant 1 : i32
    %select_n3A_78 = arith.select %eq3A_76, %jit3A_77, %jit3A_74 : i32
    %rem3A_79 = vector.broadcast %select_n3A_78 : i32 to vector<64x1xi32>
    %rem3A_80 = arith.remsi %select_n3A_38, %rem3A_79 : vector<64x1xi32>
    %ne3A_81 = arith.constant 0 : i32
    %ne3A_82 = vector.broadcast %ne3A_81 : i32 to vector<64x1xi32>
    %ne3A_83 = arith.cmpi ne, %rem3A_80, %ne3A_82 : vector<64x1xi32>
    %lt3A_84 = arith.constant 0 : i32
    %lt3A_85 = vector.broadcast %lt3A_84 : i32 to vector<64x1xi32>
    %lt3A_86 = arith.cmpi slt, %rem3A_80, %lt3A_85 : vector<64x1xi32>
    %lt3A_87 = arith.constant 0 : i32
    %lt3A_88 = arith.cmpi slt, %select_n3A_78, %lt3A_87 : i32
    %ne3A_89 = vector.broadcast %lt3A_88 : i1 to vector<64x1xi1>
    %ne3A_90 = vector.broadcast %ne3A_89 : vector<64x1xi1> to vector<64x1xi1>
    %ne3A_91 = arith.xori %lt3A_86, %ne3A_90 : vector<64x1xi1>
    %and3A_92 = arith.andi %ne3A_91, %ne3A_83 : vector<64x1xi1>
    %add3A_93 = vector.broadcast %select_n3A_78 : i32 to vector<64x1xi32>
    %add3A_94 = arith.addi %rem3A_80, %add3A_93 : vector<64x1xi32>
    %select_n3A_95 = arith.select %and3A_92, %add3A_94, %rem3A_80 : vector<64x1xi1>, vector<64x1xi32>
    %convert_element_type3A_96 = arith.sitofp %select_n3A_95 : vector<64x1xi32> to vector<64x1xf32>
    %jit3A_97 = arith.constant 64 : i32
    %div3A_98 = vector.broadcast %jit3A_97 : i32 to vector<64x1xi32>
    %div3A_99 = arith.divsi %select_n3A_38, %div3A_98 : vector<64x1xi32>
    %sign3A_100 = arith.constant 0 : i32
    %sign3A_101 = vector.broadcast %sign3A_100 : i32 to vector<64x1xi32>
    %sign3A_102 = arith.cmpi sgt, %select_n3A_38, %sign3A_101 : vector<64x1xi32>
    %sign3A_103 = arith.extui %sign3A_102 : vector<64x1xi1> to vector<64x1xi32>
    %sign3A_104 = arith.constant 0 : i32
    %sign3A_105 = vector.broadcast %sign3A_104 : i32 to vector<64x1xi32>
    %sign3A_106 = arith.cmpi slt, %select_n3A_38, %sign3A_105 : vector<64x1xi32>
    %sign3A_107 = arith.extui %sign3A_106 : vector<64x1xi1> to vector<64x1xi32>
    %sign3A_108 = arith.subi %sign3A_103, %sign3A_107 : vector<64x1xi32>
    %sign3A_109 = arith.constant 0 : i32
    %sign3A_110 = arith.cmpi sgt, %jit3A_97, %sign3A_109 : i32
    %sign3A_111 = arith.extui %sign3A_110 : i1 to i32
    %sign3A_112 = arith.constant 0 : i32
    %sign3A_113 = arith.cmpi slt, %jit3A_97, %sign3A_112 : i32
    %sign3A_114 = arith.extui %sign3A_113 : i1 to i32
    %sign3A_115 = arith.subi %sign3A_111, %sign3A_114 : i32
    %ne3A_116 = vector.broadcast %sign3A_115 : i32 to vector<64x1xi32>
    %ne3A_117 = arith.cmpi ne, %sign3A_108, %ne3A_116 : vector<64x1xi32>
    %rem3A_118 = vector.broadcast %jit3A_97 : i32 to vector<64x1xi32>
    %rem3A_119 = arith.remsi %select_n3A_38, %rem3A_118 : vector<64x1xi32>
    %ne3A_120 = arith.constant 0 : i32
    %ne3A_121 = vector.broadcast %ne3A_120 : i32 to vector<64x1xi32>
    %ne3A_122 = arith.cmpi ne, %rem3A_119, %ne3A_121 : vector<64x1xi32>
    %and3A_123 = arith.andi %ne3A_117, %ne3A_122 : vector<64x1xi1>
    %sub3A_124 = arith.constant 1 : i32
    %sub3A_125 = vector.broadcast %sub3A_124 : i32 to vector<64x1xi32>
    %sub3A_126 = arith.subi %div3A_99, %sub3A_125 : vector<64x1xi32>
    %select_n3A_127 = arith.select %and3A_123, %sub3A_126, %div3A_99 : vector<64x1xi1>, vector<64x1xi32>
    %convert_element_type3A_128 = arith.sitofp %select_n3A_127 : vector<64x1xi32> to vector<64x1xf32>
    %concatenate3A = tpu.concatenate %convert_element_type3A_96, %convert_element_type3A_128 in 1 : vector<64x1xf32>, vector<64x1xf32> -> vector<64x2xf32>
    %mul3A_129 = vector.broadcast %div3A_69 : f32 to vector<64x2xf32>
    %mul3A_130 = arith.mulf %concatenate3A, %mul3A_129 : vector<64x2xf32>
    %sub3A_131 = arith.subf %add3A_73, %mul3A_130 : vector<64x2xf32>
    %div3A_132 = vector.broadcast %div3A_69 : f32 to vector<64x2xf32>
    %div3A_133 = arith.divf %sub3A_131, %div3A_132 : vector<64x2xf32>
    %add3A_134 = arith.constant 9.99999993E-9 : f32
    %add3A_135 = vector.broadcast %add3A_134 : f32 to vector<64x2xf32>
    %add3A_136 = arith.addf %div3A_133, %add3A_135 : vector<64x2xf32>
    %div3A_137 = arith.constant 1.000000e+00 : f32
    %div3A_138 = vector.broadcast %div3A_137 : f32 to vector<64x2xf32>
    %div3A_139 = arith.divf %div3A_138, %add3A_136 : vector<64x2xf32>
    %sub3A_140 = arith.constant 1.000000e+00 : f32
    %sub3A_141 = vector.broadcast %sub3A_140 : f32 to vector<64x2xf32>
    %sub3A_142 = arith.subf %div3A_139, %sub3A_141 : vector<64x2xf32>
    %log3A = math.log %sub3A_142 : vector<64x2xf32>
    %neg3A = arith.constant 0.000000e+00 : f32
    %neg3A_143 = vector.broadcast %neg3A : f32 to vector<64x2xf32>
    %neg3A_144 = arith.subf %neg3A_143, %log3A : vector<64x2xf32>
    %slice3A_145 = vector.extract_strided_slice %get3A_13 {offsets = [0, 2], sizes = [64, 2], strides = [1, 1]} : vector<64x4xf32> to vector<64x2xf32>
    %log3A_146 = math.log %slice3A_145 : vector<64x2xf32>
    %log3A_147 = math.log %get3A_3 : vector<3x2xf32>
    %slice3A_148 = vector.extract_strided_slice %log3A_147 {offsets = [0, 0], sizes = [1, 2], strides = [1, 1]} : vector<3x2xf32> to vector<1x2xf32>
    %sub3A_149 = vector.broadcast %slice3A_148 : vector<1x2xf32> to vector<64x2xf32>
    %sub3A_150 = arith.subf %log3A_146, %sub3A_149 : vector<64x2xf32>
    %slice3A_151 = vector.extract_strided_slice %log3A_147 {offsets = [1, 0], sizes = [1, 2], strides = [1, 1]} : vector<3x2xf32> to vector<1x2xf32>
    %sub3A_152 = vector.broadcast %slice3A_151 : vector<1x2xf32> to vector<64x2xf32>
    %sub3A_153 = arith.subf %log3A_146, %sub3A_152 : vector<64x2xf32>
    %slice3A_154 = vector.extract_strided_slice %log3A_147 {offsets = [2, 0], sizes = [1, 2], strides = [1, 1]} : vector<3x2xf32> to vector<1x2xf32>
    %sub3A_155 = vector.broadcast %slice3A_154 : vector<1x2xf32> to vector<64x2xf32>
    %sub3A_156 = arith.subf %log3A_146, %sub3A_155 : vector<64x2xf32>
    %eq3A_157 = arith.constant 0 : i32
    %eq3A_158 = vector.broadcast %eq3A_157 : i32 to vector<64x1xi32>
    %eq3A_159 = arith.cmpi eq, %select_n3A_66, %eq3A_158 : vector<64x1xi32>
    %convert_element_type3A_160 = arith.extui %eq3A_159 : vector<64x1xi1> to vector<64x1xi32>
    %convert_element_type3A_161 = arith.sitofp %convert_element_type3A_160 : vector<64x1xi32> to vector<64x1xf32>
    %eq3A_162 = arith.constant 1 : i32
    %eq3A_163 = vector.broadcast %eq3A_162 : i32 to vector<64x1xi32>
    %eq3A_164 = arith.cmpi eq, %select_n3A_66, %eq3A_163 : vector<64x1xi32>
    %convert_element_type3A_165 = arith.extui %eq3A_164 : vector<64x1xi1> to vector<64x1xi32>
    %convert_element_type3A_166 = arith.sitofp %convert_element_type3A_165 : vector<64x1xi32> to vector<64x1xf32>
    %eq3A_167 = arith.constant 2 : i32
    %eq3A_168 = vector.broadcast %eq3A_167 : i32 to vector<64x1xi32>
    %eq3A_169 = arith.cmpi eq, %select_n3A_66, %eq3A_168 : vector<64x1xi32>
    %convert_element_type3A_170 = arith.extui %eq3A_169 : vector<64x1xi1> to vector<64x1xi32>
    %convert_element_type3A_171 = arith.sitofp %convert_element_type3A_170 : vector<64x1xi32> to vector<64x1xf32>
    %reduce_max3A = vector.shape_cast %convert_element_type3A_161 : vector<64x1xf32> to vector<1x64x1xf32>
    %reduce_max3A_172 = arith.constant dense<0xFF800000> : vector<1xf32>
    %reduce_max3A_173 = vector.multi_reduction <maximumf>, %reduce_max3A, %reduce_max3A_172 [1, 2] : vector<1x64x1xf32> to vector<1xf32>
    %reduce_max3A_174 = vector.shape_cast %reduce_max3A_173 : vector<1xf32> to vector<1x1x1xf32>
    %reduce_max3A_175 = vector.extract %reduce_max3A_174[0, 0, 0] : f32 from vector<1x1x1xf32>
    %reduce_max3A_176 = vector.shape_cast %convert_element_type3A_166 : vector<64x1xf32> to vector<1x64x1xf32>
    %reduce_max3A_177 = arith.constant dense<0xFF800000> : vector<1xf32>
    %reduce_max3A_178 = vector.multi_reduction <maximumf>, %reduce_max3A_176, %reduce_max3A_177 [1, 2] : vector<1x64x1xf32> to vector<1xf32>
    %reduce_max3A_179 = vector.shape_cast %reduce_max3A_178 : vector<1xf32> to vector<1x1x1xf32>
    %reduce_max3A_180 = vector.extract %reduce_max3A_179[0, 0, 0] : f32 from vector<1x1x1xf32>
    %reduce_max3A_181 = vector.shape_cast %convert_element_type3A_171 : vector<64x1xf32> to vector<1x64x1xf32>
    %reduce_max3A_182 = arith.constant dense<0xFF800000> : vector<1xf32>
    %reduce_max3A_183 = vector.multi_reduction <maximumf>, %reduce_max3A_181, %reduce_max3A_182 [1, 2] : vector<1x64x1xf32> to vector<1xf32>
    %reduce_max3A_184 = vector.shape_cast %reduce_max3A_183 : vector<1xf32> to vector<1x1x1xf32>
    %reduce_max3A_185 = vector.extract %reduce_max3A_184[0, 0, 0] : f32 from vector<1x1x1xf32>
    %add3A_186 = arith.addf %reduce_max3A_175, %reduce_max3A_180 : f32
    %add3A_187 = arith.addf %add3A_186, %reduce_max3A_185 : f32
    %mul3A_188 = arith.constant 6.400000e+01 : f32
    %mul3A_189 = arith.mulf %mul3A_188, %add3A_187 : f32
    %iota3A = tpu.iota {dimensions = array<i32: 1>} : vector<64x4096xi32>
    %eq3A_190 = vector.broadcast %select_n3A_38 : vector<64x1xi32> to vector<64x4096xi32>
    %eq3A_191 = arith.cmpi eq, %eq3A_190, %iota3A : vector<64x4096xi32>
    %convert_element_type3A_192 = arith.extui %eq3A_191 : vector<64x4096xi1> to vector<64x4096xi32>
    %convert_element_type3A_193 = arith.sitofp %convert_element_type3A_192 : vector<64x4096xi32> to vector<64x4096xf32>
    %dot_general3A = arith.constant dense<0.000000e+00> : vector<64x255xf32>
    %dot_general3A_194 = tpu.matmul %convert_element_type3A_193, %get3A_8, %dot_general3A {dimension_numbers = #tpu.dot_dimension_numbers<[1], [0], [0], [1], [0, 0, 1, 1], [], []>, transpose_lhs_hint = false} : vector<64x4096xf32>, vector<4096x255xf32>, vector<64x255xf32> -> vector<64x255xf32>
    %slice3A_195 = vector.extract_strided_slice %dot_general3A_194 {offsets = [0, 0], sizes = [64, 2], strides = [1, 1]} : vector<64x255xf32> to vector<64x2xf32>
    %sub3A_196 = arith.subf %slice3A_195, %neg3A_144 : vector<64x2xf32>
    %slice3A_197 = vector.extract_strided_slice %dot_general3A_194 {offsets = [0, 2], sizes = [64, 2], strides = [1, 1]} : vector<64x255xf32> to vector<64x2xf32>
    %sub3A_198 = arith.subf %slice3A_197, %sub3A_150 : vector<64x2xf32>
    %mul3A_199 = arith.mulf %sub3A_196, %sub3A_196 : vector<64x2xf32>
    %reduce_sum3A = vector.shape_cast %mul3A_199 : vector<64x2xf32> to vector<1x64x2xf32>
    %reduce_sum3A_200 = arith.constant dense<0.000000e+00> : vector<1xf32>
    %reduce_sum3A_201 = vector.multi_reduction <add>, %reduce_sum3A, %reduce_sum3A_200 [1, 2] : vector<1x64x2xf32> to vector<1xf32>
    %reduce_sum3A_202 = vector.shape_cast %reduce_sum3A_201 : vector<1xf32> to vector<1x1x1xf32>
    %reduce_sum3A_203 = vector.extract %reduce_sum3A_202[0, 0, 0] : f32 from vector<1x1x1xf32>
    %mul3A_204 = arith.mulf %sub3A_198, %sub3A_198 : vector<64x2xf32>
    %reduce_sum3A_205 = vector.shape_cast %mul3A_204 : vector<64x2xf32> to vector<1x64x2xf32>
    %reduce_sum3A_206 = arith.constant dense<0.000000e+00> : vector<1xf32>
    %reduce_sum3A_207 = vector.multi_reduction <add>, %reduce_sum3A_205, %reduce_sum3A_206 [1, 2] : vector<1x64x2xf32> to vector<1xf32>
    %reduce_sum3A_208 = vector.shape_cast %reduce_sum3A_207 : vector<1xf32> to vector<1x1x1xf32>
    %reduce_sum3A_209 = vector.extract %reduce_sum3A_208[0, 0, 0] : f32 from vector<1x1x1xf32>
    %add3A_210 = arith.addf %reduce_sum3A_203, %reduce_sum3A_209 : f32
    %mul3A_211 = arith.mulf %reduce_max3A_175, %add3A_210 : f32
    %add3A_212 = arith.constant 0.000000e+00 : f32
    %add3A_213 = arith.addf %add3A_212, %mul3A_211 : f32
    %slice3A_214 = vector.extract_strided_slice %dot_general3A_194 {offsets = [0, 4], sizes = [64, 1], strides = [1, 1]} : vector<64x255xf32> to vector<64x1xf32>
    %reduce_sum3A_215 = vector.shape_cast %slice3A_214 : vector<64x1xf32> to vector<1x64x1xf32>
    %reduce_sum3A_216 = arith.constant dense<0.000000e+00> : vector<1xf32>
    %reduce_sum3A_217 = vector.multi_reduction <add>, %reduce_sum3A_215, %reduce_sum3A_216 [1, 2] : vector<1x64x1xf32> to vector<1xf32>
    %reduce_sum3A_218 = vector.shape_cast %reduce_sum3A_217 : vector<1xf32> to vector<1x1x1xf32>
    %reduce_sum3A_219 = vector.extract %reduce_sum3A_218[0, 0, 0] : f32 from vector<1x1x1xf32>
    %mul3A_220 = arith.mulf %reduce_max3A_175, %reduce_sum3A_219 : f32
    %add3A_221 = arith.constant 0.000000e+00 : f32
    %add3A_222 = arith.addf %add3A_221, %mul3A_220 : f32
    %slice3A_223 = vector.extract_strided_slice %dot_general3A_194 {offsets = [0, 85], sizes = [64, 2], strides = [1, 1]} : vector<64x255xf32> to vector<64x2xf32>
    %sub3A_224 = arith.subf %slice3A_223, %neg3A_144 : vector<64x2xf32>
    %slice3A_225 = vector.extract_strided_slice %dot_general3A_194 {offsets = [0, 87], sizes = [64, 2], strides = [1, 1]} : vector<64x255xf32> to vector<64x2xf32>
    %sub3A_226 = arith.subf %slice3A_225, %sub3A_153 : vector<64x2xf32>
    %mul3A_227 = arith.mulf %sub3A_224, %sub3A_224 : vector<64x2xf32>
    %reduce_sum3A_228 = vector.shape_cast %mul3A_227 : vector<64x2xf32> to vector<1x64x2xf32>
    %reduce_sum3A_229 = arith.constant dense<0.000000e+00> : vector<1xf32>
    %reduce_sum3A_230 = vector.multi_reduction <add>, %reduce_sum3A_228, %reduce_sum3A_229 [1, 2] : vector<1x64x2xf32> to vector<1xf32>
    %reduce_sum3A_231 = vector.shape_cast %reduce_sum3A_230 : vector<1xf32> to vector<1x1x1xf32>
    %reduce_sum3A_232 = vector.extract %reduce_sum3A_231[0, 0, 0] : f32 from vector<1x1x1xf32>
    %mul3A_233 = arith.mulf %sub3A_226, %sub3A_226 : vector<64x2xf32>
    %reduce_sum3A_234 = vector.shape_cast %mul3A_233 : vector<64x2xf32> to vector<1x64x2xf32>
    %reduce_sum3A_235 = arith.constant dense<0.000000e+00> : vector<1xf32>
    %reduce_sum3A_236 = vector.multi_reduction <add>, %reduce_sum3A_234, %reduce_sum3A_235 [1, 2] : vector<1x64x2xf32> to vector<1xf32>
    %reduce_sum3A_237 = vector.shape_cast %reduce_sum3A_236 : vector<1xf32> to vector<1x1x1xf32>
    %reduce_sum3A_238 = vector.extract %reduce_sum3A_237[0, 0, 0] : f32 from vector<1x1x1xf32>
    %add3A_239 = arith.addf %reduce_sum3A_232, %reduce_sum3A_238 : f32
    %mul3A_240 = arith.mulf %reduce_max3A_180, %add3A_239 : f32
    %add3A_241 = arith.addf %add3A_213, %mul3A_240 : f32
    %slice3A_242 = vector.extract_strided_slice %dot_general3A_194 {offsets = [0, 89], sizes = [64, 1], strides = [1, 1]} : vector<64x255xf32> to vector<64x1xf32>
    %reduce_sum3A_243 = vector.shape_cast %slice3A_242 : vector<64x1xf32> to vector<1x64x1xf32>
    %reduce_sum3A_244 = arith.constant dense<0.000000e+00> : vector<1xf32>
    %reduce_sum3A_245 = vector.multi_reduction <add>, %reduce_sum3A_243, %reduce_sum3A_244 [1, 2] : vector<1x64x1xf32> to vector<1xf32>
    %reduce_sum3A_246 = vector.shape_cast %reduce_sum3A_245 : vector<1xf32> to vector<1x1x1xf32>
    %reduce_sum3A_247 = vector.extract %reduce_sum3A_246[0, 0, 0] : f32 from vector<1x1x1xf32>
    %mul3A_248 = arith.mulf %reduce_max3A_180, %reduce_sum3A_247 : f32
    %add3A_249 = arith.addf %add3A_222, %mul3A_248 : f32
    %slice3A_250 = vector.extract_strided_slice %dot_general3A_194 {offsets = [0, 170], sizes = [64, 2], strides = [1, 1]} : vector<64x255xf32> to vector<64x2xf32>
    %sub3A_251 = arith.subf %slice3A_250, %neg3A_144 : vector<64x2xf32>
    %slice3A_252 = vector.extract_strided_slice %dot_general3A_194 {offsets = [0, 172], sizes = [64, 2], strides = [1, 1]} : vector<64x255xf32> to vector<64x2xf32>
    %sub3A_253 = arith.subf %slice3A_252, %sub3A_156 : vector<64x2xf32>
    %mul3A_254 = arith.mulf %sub3A_251, %sub3A_251 : vector<64x2xf32>
    %reduce_sum3A_255 = vector.shape_cast %mul3A_254 : vector<64x2xf32> to vector<1x64x2xf32>
    %reduce_sum3A_256 = arith.constant dense<0.000000e+00> : vector<1xf32>
    %reduce_sum3A_257 = vector.multi_reduction <add>, %reduce_sum3A_255, %reduce_sum3A_256 [1, 2] : vector<1x64x2xf32> to vector<1xf32>
    %reduce_sum3A_258 = vector.shape_cast %reduce_sum3A_257 : vector<1xf32> to vector<1x1x1xf32>
    %reduce_sum3A_259 = vector.extract %reduce_sum3A_258[0, 0, 0] : f32 from vector<1x1x1xf32>
    %mul3A_260 = arith.mulf %sub3A_253, %sub3A_253 : vector<64x2xf32>
    %reduce_sum3A_261 = vector.shape_cast %mul3A_260 : vector<64x2xf32> to vector<1x64x2xf32>
    %reduce_sum3A_262 = arith.constant dense<0.000000e+00> : vector<1xf32>
    %reduce_sum3A_263 = vector.multi_reduction <add>, %reduce_sum3A_261, %reduce_sum3A_262 [1, 2] : vector<1x64x2xf32> to vector<1xf32>
    %reduce_sum3A_264 = vector.shape_cast %reduce_sum3A_263 : vector<1xf32> to vector<1x1x1xf32>
    %reduce_sum3A_265 = vector.extract %reduce_sum3A_264[0, 0, 0] : f32 from vector<1x1x1xf32>
    %add3A_266 = arith.addf %reduce_sum3A_259, %reduce_sum3A_265 : f32
    %mul3A_267 = arith.mulf %reduce_max3A_185, %add3A_266 : f32
    %add3A_268 = arith.addf %add3A_241, %mul3A_267 : f32
    %slice3A_269 = vector.extract_strided_slice %dot_general3A_194 {offsets = [0, 174], sizes = [64, 1], strides = [1, 1]} : vector<64x255xf32> to vector<64x1xf32>
    %reduce_sum3A_270 = vector.shape_cast %slice3A_269 : vector<64x1xf32> to vector<1x64x1xf32>
    %reduce_sum3A_271 = arith.constant dense<0.000000e+00> : vector<1xf32>
    %reduce_sum3A_272 = vector.multi_reduction <add>, %reduce_sum3A_270, %reduce_sum3A_271 [1, 2] : vector<1x64x1xf32> to vector<1xf32>
    %reduce_sum3A_273 = vector.shape_cast %reduce_sum3A_272 : vector<1xf32> to vector<1x1x1xf32>
    %reduce_sum3A_274 = vector.extract %reduce_sum3A_273[0, 0, 0] : f32 from vector<1x1x1xf32>
    %mul3A_275 = arith.mulf %reduce_max3A_185, %reduce_sum3A_274 : f32
    %add3A_276 = arith.addf %add3A_249, %mul3A_275 : f32
    %slice3A_277 = vector.extract_strided_slice %get3A_8 {offsets = [0, 4], sizes = [4096, 1], strides = [1, 1]} : vector<4096x255xf32> to vector<4096x1xf32>
    %reshape3A = vector.shape_cast %slice3A_277 : vector<4096x1xf32> to vector<32x128xf32>
    %slice3A_278 = vector.extract_strided_slice %get3A_8 {offsets = [0, 89], sizes = [4096, 1], strides = [1, 1]} : vector<4096x255xf32> to vector<4096x1xf32>
    %reshape3A_279 = vector.shape_cast %slice3A_278 : vector<4096x1xf32> to vector<32x128xf32>
    %slice3A_280 = vector.extract_strided_slice %get3A_8 {offsets = [0, 174], sizes = [4096, 1], strides = [1, 1]} : vector<4096x255xf32> to vector<4096x1xf32>
    %reshape3A_281 = vector.shape_cast %slice3A_280 : vector<4096x1xf32> to vector<32x128xf32>
    %concatenate3A_282 = tpu.concatenate %reshape3A, %reshape3A_279, %reshape3A_281 in 0 : vector<32x128xf32>, vector<32x128xf32>, vector<32x128xf32> -> vector<96x128xf32>
    %max3A = arith.constant 0.000000e+00 : f32
    %max3A_283 = vector.broadcast %max3A : f32 to vector<96x128xf32>
    %max3A_284 = arith.maximumf %concatenate3A_282, %max3A_283 : vector<96x128xf32>
    %abs3A = math.absf %concatenate3A_282 : vector<96x128xf32>
    %neg3A_285 = arith.constant 0.000000e+00 : f32
    %neg3A_286 = vector.broadcast %neg3A_285 : f32 to vector<96x128xf32>
    %neg3A_287 = arith.subf %neg3A_286, %abs3A : vector<96x128xf32>
    %exp3A = math.exp %neg3A_287 : vector<96x128xf32>
    %log1p3A = math.log1p %exp3A : vector<96x128xf32>
    %add3A_288 = arith.addf %max3A_284, %log1p3A : vector<96x128xf32>
    %reduce_sum3A_289 = vector.shape_cast %add3A_288 : vector<96x128xf32> to vector<1x96x128xf32>
    %reduce_sum3A_290 = arith.constant dense<0.000000e+00> : vector<1xf32>
    %reduce_sum3A_291 = vector.multi_reduction <add>, %reduce_sum3A_289, %reduce_sum3A_290 [1, 2] : vector<1x96x128xf32> to vector<1xf32>
    %reduce_sum3A_292 = vector.shape_cast %reduce_sum3A_291 : vector<1xf32> to vector<1x1x1xf32>
    %reduce_sum3A_293 = vector.extract %reduce_sum3A_292[0, 0, 0] : f32 from vector<1x1x1xf32>
    %slice3A_294 = vector.extract_strided_slice %dot_general3A_194 {offsets = [0, 5], sizes = [64, 80], strides = [1, 1]} : vector<64x255xf32> to vector<64x80xf32>
    %mul3A_295 = vector.broadcast %convert_element_type3A_161 : vector<64x1xf32> to vector<64x80xf32>
    %mul3A_296 = arith.mulf %mul3A_295, %slice3A_294 : vector<64x80xf32>
    %slice3A_297 = vector.extract_strided_slice %dot_general3A_194 {offsets = [0, 90], sizes = [64, 80], strides = [1, 1]} : vector<64x255xf32> to vector<64x80xf32>
    %mul3A_298 = vector.broadcast %convert_element_type3A_166 : vector<64x1xf32> to vector<64x80xf32>
    %mul3A_299 = arith.mulf %mul3A_298, %slice3A_297 : vector<64x80xf32>
    %add3A_300 = arith.addf %mul3A_296, %mul3A_299 : vector<64x80xf32>
    %slice3A_301 = vector.extract_strided_slice %dot_general3A_194 {offsets = [0, 175], sizes = [64, 80], strides = [1, 1]} : vector<64x255xf32> to vector<64x80xf32>
    %mul3A_302 = vector.broadcast %convert_element_type3A_171 : vector<64x1xf32> to vector<64x80xf32>
    %mul3A_303 = arith.mulf %mul3A_302, %slice3A_301 : vector<64x80xf32>
    %add3A_304 = arith.addf %add3A_300, %mul3A_303 : vector<64x80xf32>
    %reduce_max3A_305 = arith.constant dense<0xFF800000> : vector<64xf32>
    %reduce_max3A_306 = vector.multi_reduction <maximumf>, %add3A_304, %reduce_max3A_305 [1] : vector<64x80xf32> to vector<64xf32>
    %broadcast_in_dim3A = vector.shape_cast %reduce_max3A_306 : vector<64xf32> to vector<64x1xf32>
    %sub3A_307 = vector.broadcast %broadcast_in_dim3A : vector<64x1xf32> to vector<64x80xf32>
    %sub3A_308 = arith.subf %add3A_304, %sub3A_307 : vector<64x80xf32>
    %exp3A_309 = math.exp %sub3A_308 : vector<64x80xf32>
    %reduce_sum3A_310 = arith.constant dense<0.000000e+00> : vector<64xf32>
    %reduce_sum3A_311 = vector.multi_reduction <add>, %exp3A_309, %reduce_sum3A_310 [1] : vector<64x80xf32> to vector<64xf32>
    %broadcast_in_dim3A_312 = vector.shape_cast %reduce_sum3A_311 : vector<64xf32> to vector<64x1xf32>
    %log3A_313 = math.log %broadcast_in_dim3A_312 : vector<64x1xf32>
    %add3A_314 = arith.addf %broadcast_in_dim3A, %log3A_313 : vector<64x1xf32>
    %iota3A_315 = tpu.iota {dimensions = array<i32: 1>} : vector<64x80xi32>
    %eq3A_316 = vector.broadcast %get3A_18 : vector<64x1xi32> to vector<64x80xi32>
    %eq3A_317 = arith.cmpi eq, %eq3A_316, %iota3A_315 : vector<64x80xi32>
    %convert_element_type3A_318 = arith.extui %eq3A_317 : vector<64x80xi1> to vector<64x80xi32>
    %convert_element_type3A_319 = arith.sitofp %convert_element_type3A_318 : vector<64x80xi32> to vector<64x80xf32>
    %mul3A_320 = arith.mulf %convert_element_type3A_319, %add3A_304 : vector<64x80xf32>
    %reduce_sum3A_321 = arith.constant dense<0.000000e+00> : vector<64xf32>
    %reduce_sum3A_322 = vector.multi_reduction <add>, %mul3A_320, %reduce_sum3A_321 [1] : vector<64x80xf32> to vector<64xf32>
    %broadcast_in_dim3A_323 = vector.shape_cast %reduce_sum3A_322 : vector<64xf32> to vector<64x1xf32>
    %sub3A_324 = arith.subf %add3A_314, %broadcast_in_dim3A_323 : vector<64x1xf32>
    %reduce_sum3A_325 = vector.shape_cast %sub3A_324 : vector<64x1xf32> to vector<1x64x1xf32>
    %reduce_sum3A_326 = arith.constant dense<0.000000e+00> : vector<1xf32>
    %reduce_sum3A_327 = vector.multi_reduction <add>, %reduce_sum3A_325, %reduce_sum3A_326 [1, 2] : vector<1x64x1xf32> to vector<1xf32>
    %reduce_sum3A_328 = vector.shape_cast %reduce_sum3A_327 : vector<1xf32> to vector<1x1x1xf32>
    %reduce_sum3A_329 = vector.extract %reduce_sum3A_328[0, 0, 0] : f32 from vector<1x1x1xf32>
    %iota3A_330 = tpu.iota {dimensions = array<i32: 0>} : vector<8x128xi32>
    %iota3A_331 = tpu.iota {dimensions = array<i32: 1>} : vector<8x128xi32>
    %eq3A_332 = arith.constant 0 : i32
    %eq3A_333 = vector.broadcast %eq3A_332 : i32 to vector<8x128xi32>
    %eq3A_334 = arith.cmpi eq, %iota3A_330, %eq3A_333 : vector<8x128xi32>
    %eq3A_335 = arith.constant 0 : i32
    %eq3A_336 = vector.broadcast %eq3A_335 : i32 to vector<8x128xi32>
    %eq3A_337 = arith.cmpi eq, %iota3A_331, %eq3A_336 : vector<8x128xi32>
    %and3A_338 = arith.andi %eq3A_334, %eq3A_337 : vector<8x128xi1>
    %jit3A_339 = arith.constant 0.000000e+00 : f32
    %broadcast_in_dim3A_340 = vector.broadcast %add3A_268 : f32 to vector<8x128xf32>
    %broadcast_in_dim3A_341 = vector.broadcast %jit3A_339 : f32 to vector<8x128xf32>
    %select_n3A_342 = arith.select %and3A_338, %broadcast_in_dim3A_340, %broadcast_in_dim3A_341 : vector<8x128xi1>, vector<8x128xf32>
    %eq3A_343 = arith.constant 1 : i32
    %eq3A_344 = vector.broadcast %eq3A_343 : i32 to vector<8x128xi32>
    %eq3A_345 = arith.cmpi eq, %iota3A_331, %eq3A_344 : vector<8x128xi32>
    %and3A_346 = arith.andi %eq3A_334, %eq3A_345 : vector<8x128xi1>
    %jit3A_347 = arith.constant 0.000000e+00 : f32
    %broadcast_in_dim3A_348 = vector.broadcast %reduce_sum3A_293 : f32 to vector<8x128xf32>
    %broadcast_in_dim3A_349 = vector.broadcast %jit3A_347 : f32 to vector<8x128xf32>
    %select_n3A_350 = arith.select %and3A_346, %broadcast_in_dim3A_348, %broadcast_in_dim3A_349 : vector<8x128xi1>, vector<8x128xf32>
    %add3A_351 = arith.addf %select_n3A_342, %select_n3A_350 : vector<8x128xf32>
    %eq3A_352 = arith.constant 2 : i32
    %eq3A_353 = vector.broadcast %eq3A_352 : i32 to vector<8x128xi32>
    %eq3A_354 = arith.cmpi eq, %iota3A_331, %eq3A_353 : vector<8x128xi32>
    %and3A_355 = arith.andi %eq3A_334, %eq3A_354 : vector<8x128xi1>
    %jit3A_356 = arith.constant 0.000000e+00 : f32
    %broadcast_in_dim3A_357 = vector.broadcast %add3A_276 : f32 to vector<8x128xf32>
    %broadcast_in_dim3A_358 = vector.broadcast %jit3A_356 : f32 to vector<8x128xf32>
    %select_n3A_359 = arith.select %and3A_355, %broadcast_in_dim3A_357, %broadcast_in_dim3A_358 : vector<8x128xi1>, vector<8x128xf32>
    %add3A_360 = arith.addf %add3A_351, %select_n3A_359 : vector<8x128xf32>
    %eq3A_361 = arith.constant 3 : i32
    %eq3A_362 = vector.broadcast %eq3A_361 : i32 to vector<8x128xi32>
    %eq3A_363 = arith.cmpi eq, %iota3A_331, %eq3A_362 : vector<8x128xi32>
    %and3A_364 = arith.andi %eq3A_334, %eq3A_363 : vector<8x128xi1>
    %jit3A_365 = arith.constant 0.000000e+00 : f32
    %broadcast_in_dim3A_366 = vector.broadcast %reduce_sum3A_329 : f32 to vector<8x128xf32>
    %broadcast_in_dim3A_367 = vector.broadcast %jit3A_365 : f32 to vector<8x128xf32>
    %select_n3A_368 = arith.select %and3A_364, %broadcast_in_dim3A_366, %broadcast_in_dim3A_367 : vector<8x128xi1>, vector<8x128xf32>
    %add3A_369 = arith.addf %add3A_360, %select_n3A_368 : vector<8x128xf32>
    %eq3A_370 = arith.constant 4 : i32
    %eq3A_371 = vector.broadcast %eq3A_370 : i32 to vector<8x128xi32>
    %eq3A_372 = arith.cmpi eq, %iota3A_331, %eq3A_371 : vector<8x128xi32>
    %and3A_373 = arith.andi %eq3A_334, %eq3A_372 : vector<8x128xi1>
    %jit3A_374 = arith.constant 0.000000e+00 : f32
    %broadcast_in_dim3A_375 = vector.broadcast %mul3A_189 : f32 to vector<8x128xf32>
    %broadcast_in_dim3A_376 = vector.broadcast %jit3A_374 : f32 to vector<8x128xf32>
    %select_n3A_377 = arith.select %and3A_373, %broadcast_in_dim3A_375, %broadcast_in_dim3A_376 : vector<8x128xi1>, vector<8x128xf32>
    %add3A_378 = arith.addf %add3A_369, %select_n3A_377 : vector<8x128xf32>
    %get3A_379 = arith.constant 0 : index
    %get3A_380 = arith.constant 0 : index
    %get3A_381 = vector.load %arg6[%get3A_379, %get3A_380] : memref<8x128xf32, #tpu.memory_space<vmem>>, vector<8x128xf32>
    %add3A_382 = arith.addf %get3A_381, %add3A_378 : vector<8x128xf32>
    %swap3A = arith.constant 0 : index
    %swap3A_383 = arith.constant 0 : index
    %swap3A_384 = vector.load %arg6[%swap3A, %swap3A_383] : memref<8x128xf32, #tpu.memory_space<vmem>>, vector<8x128xf32>
    tpu.vector_store %arg6[%swap3A, %swap3A_383], %add3A_382 {strides = array<i32>} : memref<8x128xf32, #tpu.memory_space<vmem>>, vector<8x128xf32>,
    return
  }
  func.func @transform_0(%arg0: i32) -> (i32, i32, i32) {
    %c0_i32 = arith.constant 0 : i32
    %c0_i32_0 = arith.constant 0 : i32
    %c0_i32_1 = arith.constant 0 : i32
    return %arg0, %c0_i32, %c0_i32_0 : i32, i32, i32
  }
  func.func @transform_1(%arg0: i32) -> (i32, i32, i32) {
    %c0_i32 = arith.constant 0 : i32
    %c0_i32_0 = arith.constant 0 : i32
    %c0_i32_1 = arith.constant 0 : i32
    return %arg0, %c0_i32, %c0_i32_0 : i32, i32, i32
  }
  func.func @transform_2(%arg0: i32) -> (i32, i32, i32) {
    %c0_i32 = arith.constant 0 : i32
    %c0_i32_0 = arith.constant 0 : i32
    %c0_i32_1 = arith.constant 0 : i32
    return %arg0, %c0_i32, %c0_i32_0 : i32, i32, i32
  }
  func.func @transform_3(%arg0: i32) -> (i32, i32, i32) {
    %c0_i32 = arith.constant 0 : i32
    %c0_i32_0 = arith.constant 0 : i32
    %c0_i32_1 = arith.constant 0 : i32
    return %arg0, %c0_i32, %c0_i32_0 : i32, i32, i32
  }
  func.func @transform_4(%arg0: i32) -> (i32, i32) {
    %c0_i32 = arith.constant 0 : i32
    %c0_i32_0 = arith.constant 0 : i32
    %c0_i32_1 = arith.constant 0 : i32
    return %c0_i32, %c0_i32_0 : i32, i32
  }
  func.func @transform_5(%arg0: i32) -> (i32, i32) {
    %c0_i32 = arith.constant 0 : i32
    %c0_i32_0 = arith.constant 0 : i32
    %c0_i32_1 = arith.constant 0 : i32
    return %c0_i32, %c0_i32_0 : i32, i32
  }
}

</mosaic_0001>

<sc_bundles>
// kernel: kernel.4.cloned.1.call-start
scs
__scs_entry_jumppad:
0x0: {  	(pc) =	sbr.rel $0x88, $3  }
0x1: {  	(tag) =	ssettag $0x0;
	lr =	simm.s32 $0x1  }
0x2: {  	[smem:$0x3F9D] =	sst lr;
	_ =	strace $0xD0000000  }
0x3: {  	_ = 	snop  }
0x4: {  	_ = 	snop  }
0x5: {  	_ = 	snop  }
0x6: {  	_ = 	snop  }
0x7: {  	_ = 	snop  }
__scs_overlays_trampoline_lowered:
0x8: {  	[smem:$0x3FAC] =	sst s0  }
0x9: {  	[smem:$0x3FAD] =	sst s1  }
0xa: {  	[smem:$0x3FAE] =	sst s2  }
0xb: {  	[smem:$0x3FAF] =	sst s3  }
0xc: {  	[smem:$0x3FB0] =	sst s4  }
0xd: {  	[smem:$0x3FB1] =	sst s5  }
0xe: {  	[smem:$0x3FB2] =	sst s6  }
0xf: {  	[smem:$0x3FB3] =	sst s7  }
0x10: {  	[smem:$0x3FB4] =	sst s8  }
0x11: {  	[smem:$0x3FB5] =	sst s9;
	s0 =	simm.s32 @!p0 $0x0  }
0x12: {  	s1 =	sld [smem:$0x3F9B];
	s0 =	simm.s32 @p0 $0x1  }
0x13: {  	[smem:$0x3FB6] =	sst s0;
	s0 =	simm.s32 @!p1 $0x0  }
0x14: {  	s2 =	sld [smem:$0x3F9A];
	s0 =	simm.s32 @p1 $0x1  }
0x15: {  	[smem:$0x3FB7] =	sst s0;
	s0 =	simm.s32 @!p2 $0x0  }
0x16: {  	s3 =	sld [smem:$0x3FDB];
	s0 =	simm.s32 @p2 $0x1  }
0x17: {  	s4 =	simm.s32 $0x1BF5;
	[smem:$0x3FB9] =	sst s0  }
0x18: {  	s0 =	sld [smem:$0x3F9C];
	_ =	swait.ge [sflag:s4], $0x0  }
0x19: {  	s7 =	sld [smem:$0x3F9D]  }
0x1a: {  	s8 =	sadd.s32 $0xFFFFE003, lr  }
0x1b: {  	s9 =	sadd.s32 $0xFFFFFEF7, lr;
	s5 =	simm.s32 $0xFFFFFFFF;
	p2 =	slt.u32 s8, $0xFFFFF086  }
0x1c: {  	p1 =	slt.u32 s9, $0xF7A;
	s5 =	simm.s32 @!p2 $0x0  }
0x1d: {  	s5 =	simm.s32 @p1 $0x1;
	p0 =	seq.s32 s7, s2  }
0x1e: {  	s7 =	smul.u32 @!p0 $0xF7A, s2;
	p2 =	seq.s32 @!p0 s5, $0x0  }
0x1f: {  	s9 =	smul.u32 $0xF7A, s1;
	s8 =	simm.s32 @!p0 $0x1BF5;
	p2 =	por !p2, p0  }
0x20: {  	[sflag:s8] =	ssyncset.s32 @!p0 $0xFFFFF086;
	s6 =	sadd.s32 @!p0 s3, s7;
	s7 =	simm.s32 @!p0 $0x108  }
0x21: {  	s3 =	sadd.s32 s3, s9;
	s6 =	sadd.s32 @!p0 $0x88, s6;
	s7 =	simm.s32 @p2 $0x1082  }
0x22: {  	[simem:s7], [sflag:s8] =	dma.local @!p0 [hbm:s6], $0xF7A  }
0x23: {  	s9 =	sor.u32 $0xD0000000, s2;
	s6 =	simm.s32 $0x108;
	_ =	swait.ge @!p0 [sflag:s8], $0x0  }
0x24: {  	s3 =	sadd.s32 $0x88, s3;
	s6 =	simm.s32 @!p1 $0x1082;
	[sflag:s4] =	ssyncset.s32 $0xFFFFF086  }
0x25: {  	[simem:s6], [sflag:s4] =	dma.local [hbm:s3], $0xF7A  }
0x26: {  	[smem:$0x3F9D] =	sst s1;
	(tag) =	ssettag s2;
	_ =	strace s9  }
0x27: {  	s1 =	sld [smem:$0x3FAD]  }
0x28: {  	s2 =	sld [smem:$0x3FAE]  }
0x29: {  	s4 =	sld [smem:$0x3FB0]  }
0x2a: {  	p0 =	seq.s32 s5, $0x0;
	s5 =	sld [smem:$0x3FB1]  }
0x2b: {  	s6 =	sld [smem:$0x3FB2]  }
0x2c: {  	s7 =	sld [smem:$0x3FB3]  }
0x2d: {  	s3 =	simm.s32 $0x108;
	s8 =	sld [smem:$0x3FB4]  }
0x2e: {  	s3 =	simm.s32 @!p0 $0x1082;
	s9 =	sld [smem:$0x3FB5]  }
0x2f: {  	lr =	sadd.s32 s0, s3;
	s0 =	sld [smem:$0x3FAC]  }
0x30: {  	s3 =	sld [smem:$0x3FAF]  }
0x31: {  	[smem:$0x3FB8] =	sst s10  }
0x32: {  	s10 =	sld [smem:$0x3FB6];
	_ =	sdelay $0x3  }
0x33: {  	p0 =	seq.s32 s10, $0x1;
	s10 =	sld [smem:$0x3FB8];
	_ =	sdelay $0x3  }
0x34: {  	[smem:$0x3FB8] =	sst s10  }
0x35: {  	s10 =	sld [smem:$0x3FB7];
	_ =	sdelay $0x3  }
0x36: {  	p1 =	seq.s32 s10, $0x1;
	s10 =	sld [smem:$0x3FB8];
	_ =	sdelay $0x3  }
0x37: {  	[smem:$0x3FB8] =	sst s10  }
0x38: {  	s10 =	sld [smem:$0x3FB9]  }
0x39: {  	_ = 	snop;
	(pc) =	sbr.ind lr, $3  }
0x3a: {  	_ = 	snop  }
0x3b: {  	_ = 	snop  }
0x3c: {  	p2 =	seq.s32 s10, $0x1;
	s10 =	sld [smem:$0x3FB8]  }
0x3d: {  	_ =	shalt  }
0x3e: {  	_ =	shalt  }
0x3f: {  	_ =	shalt  }
0x40: {  	_ =	shalt  }
0x41: {  	_ =	shalt  }
0x42: {  	_ =	shalt  }
0x43: {  	_ =	shalt  }
0x44: {  	_ =	shalt  }
0x45: {  	_ =	shalt  }
0x46: {  	_ =	shalt  }
0x47: {  	_ =	shalt  }
0x48: {  	_ =	shalt  }
0x49: {  	_ =	shalt  }
0x4a: {  	_ =	shalt  }
0x4b: {  	_ =	shalt  }
0x4c: {  	_ =	shalt  }
0x4d: {  	_ =	shalt  }
0x4e: {  	_ =	shalt  }
0x4f: {  	_ =	shalt  }
0x50: {  	_ =	shalt  }
0x51: {  	_ =	shalt  }
0x52: {  	_ =	shalt  }
0x53: {  	_ =	shalt  }
0x54: {  	_ =	shalt  }
0x55: {  	_ =	shalt  }
0x56: {  	_ =	shalt  }
0x57: {  	_ =	shalt  }
0x58: {  	_ =	shalt  }
0x59: {  	_ =	shalt  }
0x5a: {  	_ =	shalt  }
0x5b: {  	_ =	shalt  }
0x5c: {  	_ =	shalt  }
0x5d: {  	_ =	shalt  }
0x5e: {  	_ =	shalt  }
0x5f: {  	_ =	shalt  }
0x60: {  	_ =	shalt  }
0x61: {  	_ =	shalt  }
0x62: {  	_ =	shalt  }
0x63: {  	_ =	shalt  }
0x64: {  	_ =	shalt  }
0x65: {  	_ =	shalt  }
0x66: {  	_ =	shalt  }
0x67: {  	_ =	shalt  }
0x68: {  	_ =	shalt  }
0x69: {  	_ =	shalt  }
0x6a: {  	_ =	shalt  }
0x6b: {  	_ =	shalt  }
0x6c: {  	_ =	shalt  }
0x6d: {  	_ =	shalt  }
0x6e: {  	_ =	shalt  }
0x6f: {  	_ =	shalt  }
0x70: {  	_ =	shalt  }
0x71: {  	_ =	shalt  }
0x72: {  	_ =	shalt  }
0x73: {  	_ =	shalt  }
0x74: {  	_ =	shalt  }
0x75: {  	_ =	shalt  }
0x76: {  	_ =	shalt  }
0x77: {  	_ =	shalt  }
0x78: {  	_ =	shalt  }
0x79: {  	_ =	shalt  }
0x7a: {  	_ =	shalt  }
0x7b: {  	_ =	shalt  }
0x7c: {  	_ =	shalt  }
0x7d: {  	_ =	shalt  }
0x7e: {  	_ =	shalt  }
0x7f: {  	_ =	shalt  }
0x80: {  	_ =	shalt  }
0x81: {  	_ =	shalt  }
0x82: {  	_ =	shalt  }
0x83: {  	_ =	shalt  }
0x84: {  	_ =	shalt  }
0x85: {  	_ =	shalt  }
0x86: {  	_ =	shalt  }
0x87: {  	_ =	shalt  }
.Lfunc_end0:
.L_simem_size_0:
called_computation_lowered:
.L_overlay_start_0:
0x88: {  	s2 =	sld [smem:$0x3FD9]  }
0x89: {  	s3 =	sld [smem:$0x3FFE];
	_ =	sdelay $0x1  }
0x8a: {  	s1 =	srdreg.scid  }
0x8b: {  	s0 =	sand.u32 $0x1, s1  }
0x8c: {  	s14 =	sshll.u32 s0, $0xA;
	s2 =	sadd.s32 s3, s2  }
0x8d: {  	s2 =	sadd.s32 s2, s14  }
0x8e: {  	[smem:$0x3FC4] =	sst s2  }
0x8f: {  	_ = 	snop  }
0x90: {  	s2 =	sld [smem:$0x3FD0];
	_ =	sdelay $0x2  }
0x91: {  	s15 =	simm.s32 $0xA;
	s4 =	simm.s32 $0x10  }
0x92: {  	[smem:s4], [sflag:s15] =	dma.local [hbm:s2], $0x1  }
0x93: {  	_ =	swait.eq [sflag:s15], $0x1  }
0x94: {  	[sflag:s15] =	ssyncset.done $0x0  }
0x95: {  	[sflag:s15] =	ssyncadd.s32 $0xFFFFFFFF  }
0x96: {  	s16 =	sld [smem:$0x10];
	(tm) =	ssettm $0x1  }
0x97: {  	s17 =	sld [smem:$0x3FFB];
	_ =	sdelay $0x3  }
0x98: {  	_ =	strace s17  }
0x99: {  	s3 =	sld [smem:$0x3FFC];
	_ =	sdelay $0x3  }
0x9a: {  	_ =	strace s3  }
0x9b: {  	s3 =	sld [smem:$0x3FFD];
	_ =	sdelay $0x3  }
0x9c: {  	_ =	strace s3  }
0x9d: {  	_ =	strace $0x8FFFFFFF  }
0x9e: {  	s18 =	sld [smem:$0x3FDB];
	_ =	sdelay $0x1  }
0x9f: {  	s19 =	simm.s32 $_scs_section_size  }
0xa0: {  	s5 =	simm.s32 $_size__tile_overlayer_lowered;
	s6 =	simm.s32 $_tile_overlayer_lowered  }
0xa1: {  	s22 =	simm.s32 $0x1BFF;
	s21 =	sshll.u32 s6, $0x1;
	s3 =	sadd.s32 s19, s18  }
0xa2: {  	s7 =	simm.s32 $0x0;
	s20 =	sshll.u32 s5, $0x1;
	s5 =	sadd.s32 s21, s3  }
0xa3: {  	[timem:s7], [sflag:s22] =	dma.local [hbm:s5], s20  }
0xa4: {  	_ =	swait.ge [sflag:s22], s20  }
0xa5: {  	s4 =	ssub.s32 $0x0, s20;
	[sflag:s22] =	ssyncset.done $0x0  }
0xa6: {  	[sflag:s22] =	ssyncadd.s32 s4;
	_ =	sdelay $0x1  }
0xa7: {  	s23 =	simm.s32 $0x1B8B  }
0xa8: {  	_ =	swait.ge [sflag:s23], $0x1  }
0xa9: {  	[sflag:s23] =	ssyncset.done $0x0  }
0xaa: {  	s25 =	simm.s32 $0x1B8E;
	s24 =	sld [smem:$0x3FFE];
	[sflag:s23] =	ssyncadd.s32 $0xFFFFFFFF  }
0xab: {  	s26 =	simm.s32 $execute0_lowered;
	[smem:$0x3FD2] =	sst s25  }
0xac: {  	s5 =	sshll.u32 s26, $0x1;
	_ =	strace $0x80000046;
	[dreg:$0x1] =	wrdreg $0xFFFFFFFF  }
0xad: {  	s28 =	simm.s32 $_size_execute0_lowered;
	s3 =	sadd.s32 s3, s5;
	[dreg:$0x0] =	wrdreg $0x0  }
0xae: {  	s5 =	sshll.u32 s28, $0x1;
	[dreg:$0x2] =	wrdreg s3  }
0xaf: {  	[dreg:$0x3] =	wrdreg s5  }
0xb0: {  	[dreg:$0x4] =	wrdreg $0xC0  }
0xb1: {  	_ =	task [dreg:s7], $0x5FFFF  }
0xb2: {  	[dreg:$0x1] =	wrdreg $0xFFFFFFFF  }
0xb3: {  	[dreg:$0x0] =	wrdreg $0x60  }
0xb4: {  	[dreg:$0x2] =	wrdreg s24  }
0xb5: {  	[dreg:$0x3] =	wrdreg s16  }
0xb6: {  	[dreg:$0x4] =	wrdreg $0x9  }
0xb7: {  	_ =	task.clear_ibuf [dreg:s7], $0x5FFFF;
	_ =	strace $0x90000046  }
0xb8: {  	s29 =	simm.s32 $0x9;
	_ =	strace $0x80000048  }
0xb9: {  	_ =	swait.ge [sflag:s29], $0x1  }
0xba: {  	[sflag:s29] =	ssyncadd.s32 $0xFFFFFFFF  }
0xbb: {  	_ =	strace $0x90000048  }
0xbc: {  	_ =	sfence  }
0xbd: {  	s30 =	sld [smem:$0x0];
	_ =	sdelay $0x2  }
0xbe: {  	s31 =	sshll.u32 s1, $0xD;
	s1 =	sshrl.u32 s1, $0x2  }
0xbf: {  	s3 =	sand.u32 $0x4000, s31;
	s1 =	sadd.s32 s1, s30  }
0xc0: {  	s0 =	sor.u32 s3, s0;
	s1 =	sshll.u32 s1, $0x11  }
0xc1: {  	s0 =	sor.u32 s1, s0  }
0xc2: {  	s0 =	sadd.s32 $0x8F2B, s0  }
0xc3: {  	[sflag:s0] =	ssyncadd.remote.s32 $0x1  }
0xc4: {  	_ =	sfence.sel $0xFFFF  }
0xc5: {  	[dreg:$0x0] =	wrdreg $0xFFFFFFFF;
	(pc) =	sbr.abs _section_cstart, $3  }
0xc6: {  	[dreg:$0x1] =	wrdreg $0xFFFFFFFF  }
0xc7: {  	_ =	task.clear_ibuf [dreg:s7], $0x2FFFF;
	_ =	strace $0x9FFFFFFF  }
0xc8: {  	(tm) =	ssettm $0x7FFFFFFF  }
0xc9: {  	_ =	shalt  }
tec
execute0_lowered:
.L_overlay_start_1:
0x0: {  	(tag) =	ssettag $0x1  }
0x1: {  	s1 =	srdreg.scid  }
0x2: {  	s3 =	rddreg [dreg:$0x0];
	s0 =	stileid.u32;
	s14 =	sand.u32 $0x1, s1  }
0x3: {  	s4 =	rddreg [dreg:$0x1];
	s5 =	sshll.u32 s0, $0x3;
	s6 =	sshll.u32 s14, $0x2  }
0x4: {  	s2 =	simm.s32 $0x0;
	s1 =	rddreg [dreg:$0x2];
	s5 =	sor.u32 s6, s5  }
0x5: {  	[smem:$0x7FF] =	sst s2;
	s13 =	sadd.s32 s5, s3  }
0x6: {  	_ =	strace $0x80000047;
	s3 =	simm.s32 $0x1;
	s5 =	sadd.s32 $0x600, s13  }
0x7: {  	[tilespmem:s2], [sflag:$0x1] =	stream.linear.gather [hbm4b:s5+s2], $0x20, $0x38;
	[tilespmem:$0x300] =	vst v63  }
0x8: {  	_ =	swait.ge [sflag:s3], $0x20  }
0x9: {  	[sflag:s3] =	ssyncset.done $0x0  }
0xa: {  	s7 =	simm.s32 $0x80;
	s6 =	sadd.s32 $0x680, s13;
	[sflag:s3] =	ssyncadd.s32 $0xFFFFFFE0  }
0xb: {  	[tilespmem:s7], [sflag:$0x1] =	stream.linear.gather [hbm4b:s6+s2], $0x20, $0x38;
	[tilespmem:$0x300] =	vst v63  }
0xc: {  	_ =	swait.ge [sflag:s3], $0x20  }
0xd: {  	[sflag:s3] =	ssyncset.done $0x0  }
0xe: {  	s9 =	simm.s32 $0x100;
	s8 =	sadd.s32 $0x700, s13;
	[sflag:s3] =	ssyncadd.s32 $0xFFFFFFE0  }
0xf: {  	[tilespmem:s9], [sflag:$0x1] =	stream.linear.gather [hbm4b:s8+s2], $0x20, $0x38;
	[tilespmem:$0x300] =	vst v63  }
0x10: {  	_ =	swait.ge [sflag:s3], $0x20  }
0x11: {  	[sflag:s3] =	ssyncset.done $0x0  }
0x12: {  	s11 =	simm.s32 $0x180;
	s10 =	sadd.s32 $0x780, s13;
	[sflag:s3] =	ssyncadd.s32 $0xFFFFFFE0  }
0x13: {  	[tilespmem:s11], [sflag:$0x1] =	stream.linear.gather [hbm4b:s10+s2], $0x20, $0x38;
	[tilespmem:$0x300] =	vst v63  }
0x14: {  	_ =	swait.ge [sflag:s3], $0x20  }
0x15: {  	[sflag:s3] =	ssyncset.done $0x0  }
0x16: {  	s12 =	simm.s32 $0x200;
	[sflag:s3] =	ssyncadd.s32 $0xFFFFFFE0  }
0x17: {  	[tilespmem:s12], [sflag:$0x1] =	stream.linear.gather [hbm4b:s4+s2], $0x80, $0x38;
	[tilespmem:$0x300] =	vst v63  }
0x18: {  	_ =	swait.ge [sflag:s3], $0x80  }
0x19: {  	[sflag:s3] =	ssyncset.done $0x0  }
0x1a: {  	[sflag:s3] =	ssyncadd.s32 $0xFFFFFF80  }
0x1b: {  	v0 =	vld [tilespmem:$0x10]  }
0x1c: {  	v4 =	vld [tilespmem:$0x210]  }
0x1d: {  	v5 =	vld [tilespmem:$0x240]  }
0x1e: {  	v6 =	vld [tilespmem:$0x240]  }
0x1f: {  	v7 =	vld [tilespmem:$0x220]  }
0x20: {  	v8 =	vld [tilespmem:$0x250]  }
0x21: {  	v2 =	vld [tilespmem:$0x90]  }
0x22: {  	v9 =	vld [tilespmem:$0x220]  }
0x23: {  	v10 =	vld [tilespmem:$0x230];
	(erf) = vrcp.f32 v4  }
0x24: {  	v11 =	vld [tilespmem:$0x190];
	(erf) = vrcp.f32 v5  }
0x25: {  	v12 =	vld [tilespmem:$0x110];
	(erf) = vrcp.f32 v6  }
0x26: {  	v13 =	vld [tilespmem:$0x230];
	(erf) = vrcp.f32 v7  }
0x27: {  	v16 =	vld [tilespmem:$0x180];
	(erf) = vrcp.f32 v8  }
0x28: {  	v1 =	vld [tilespmem:$0x100];
	(erf) = vrcp.f32 v9  }
0x29: {  	v3 =	vmul.f32 $5.000000000e-01, v11;
	(erf) = vrcp.f32 v10  }
0x2a: {  	v14 =	vld [tilespmem:$0x210];
	v17 =	vmul.f32 $5.000000000e-01, v12;
	(erf) = vrcp.f32 v11  }
0x2b: {  	v15 =	vld [tilespmem:$0x200];
	v2 =	vadd.f32 v3, v2;
	(erf) = vrcp.f32 v12  }
0x2c: {  	v25 =	vmul.f32 $5.000000000e-01, v16;
	v0 =	vadd.f32 v17, v0;
	v18 =	vpop (erf);
	(erf) = vrcp.f32 v13  }
0x2d: {  	v19 =	vld [tilespmem:$0x250];
	v3 =	vmul.f32 $6.400000000e+01, v2;
	v20 =	vpop (erf);
	(erf) = vrcp.f32 v1  }
0x2e: {  	v21 =	vld [tilespmem:$0x200];
	v2 =	vmul.f32 $6.400000000e+01, v0;
	v18 =	vmul.f32 v18, v11;
	v22 =	vpop (erf)  }
0x2f: {  	v20 =	vmul.f32 v20, v1;
	(erf) = vrcp.f32 v14;
	v23 =	vpop (erf)  }
0x30: {  	v22 =	vmul.f32 v22, v12;
	(erf) = vrcp.f32 v15;
	v24 =	vpop (erf)  }
0x31: {  	v17 =	vld [tilespmem:$0x80];
	v23 =	vmul.f32 v23, v1;
	(erf) = vrcp.f32 v16;
	v26 =	vpop (erf)  }
0x32: {  	v24 =	vmul.f32 v24, v11;
	(erf) = vrcp.f32 v19;
	v27 =	vpop (erf)  }
0x33: {  	(erf) = vrcp.f32 v21;
	v26 =	vmul.f32 v26, v12;
	v0 =	vpop (erf)  }
0x34: {  	v11 =	vmul.f32 v27, v11;
	v10 =	vmul.f32 v10, v0;
	v59 =	vpop (erf)  }
0x35: {  	v4 =	vmul.f32 v4, v0;
	v8 =	vmul.f32 v8, v0;
	v28 =	vpop (erf)  }
0x36: {  	v17 =	vadd.f32 v25, v17;
	v21 =	vmul.f32 v21, v59;
	v6 =	vmul.f32 v6, v59;
	v60 =	vpop (erf)  }
0x37: {  	v9 =	vmul.f32 v9, v59;
	v10 =	vmax.f32 v11, v10;
	v7 =	vmul.f32 v7, v60  }
0x38: {  	v0 =	vpop (erf);
	v5 =	vmul.f32 v5, v60;
	v22 =	vmax.f32 v22, v6;
	v6 =	vmul.f32 $6.400000000e+01, v17  }
0x39: {  	v9 =	vmax.f32 v26, v9;
	v17 =	vmul.f32 v28, v16;
	v15 =	vmul.f32 v15, v60;
	v29 =	vpop (erf)  }
0x3a: {  	v61 =	vimm.f32 $1.000000000e+00;
	v62 =	vmul.f32 v0, v16;
	v9 =	vmul.f32 v10, v9;
	v63 =	vpop (erf)  }
0x3b: {  	v4 =	vmax.f32 v18, v4;
	v14 =	vmul.f32 v14, v63;
	v18 =	vmul.f32 v19, v63;
	v19 =	vpop (erf)  }
0x3c: {  	v8 =	vmax.f32 v24, v8;
	v13 =	vmul.f32 v13, v63;
	v16 =	vmul.f32 v19, v16;
	v19 =	vpop (erf)  }
0x3d: {  	v8 =	vmul.f32 v8, v22;
	v7 =	vmax.f32 v23, v7;
	v12 =	vmul.f32 v19, v12  }
0x3e: {  	s14 =	ssub.s32 $0x2, s14;
	v14 =	vmax.f32 v62, v14;
	v19 =	vmul.f32 v29, v1;
	v11 =	vmax.f32 v17, v13  }
0x3f: {  	s15 =	sshrl.u32 s14, $0x1;
	v10 =	vmax.f32 v16, v18;
	v11 =	vmul.f32 v11, v7;
	v12 =	vmax.f32 v12, v21  }
0x40: {  	s14 =	ssub.s32 s14, s15;
	v4 =	vmul.f32 v4, v12;
	v12 =	vmax.f32 v19, v15;
	v15 =	vmax.f32 v20, v5  }
0x41: {  	s15 =	smax.u32 s14, $0x1;
	v13 =	vmul.f32 v14, v12;
	v14 =	vmul.f32 v10, v15;
	v12 =	vsub.f32 v8, v9  }
0x42: {  	p0 =	sne.s32 s15, $0x1;
	v0 =	vand.u32 $0x7FFFFFFF, v61;
	v5 =	vsub.f32 v9, v4;
	v4 =	vsub.f32 v8, v4  }
.Ltmp0:
0x43: {  	v7 =	vsub.f32 v14, v11;
	v8 =	vsub.f32 v11, v13;
	vm4 =	vgt.f32 v12, $0.0e+00;
	(pc) =	sbr.rel @!p0 .LBB2_2-.Ltmp0, $4  }
0x44: {  	v9 =	vand.u32 $0x80000000, v5;
	vm0 =	vlt.f32 v5, $0.0e+00;
	vm1 =	vgt.f32 v5, $0.0e+00  }
0x45: {  	v15 =	vand.u32 $0x80000000, v4;
	vm2 =	vlt.f32 v4, $0.0e+00;
	v10 =	vor.u32 v9, v0  }
0x46: {  	v9 =	vor.u32 v15, v0;
	v11 =	vand.u32 $0x80000000, v7;
	v15 =	vand.u32 $0x80000000, v12  }
0x47: {  	s13 =	sadd.s32 $0x800, s13;
	s14 =	simm.s32 $0x280;
	s15 =	sadd.s32 $0xFFFFFFFF, s15;
	v16 =	vand.u32 $0x80000000, v8;
	vm3 =	vlt.f32 v7, $0.0e+00;
	v15 =	vor.u32 v15, v0  }
.LBB2_1:
0x48: {  	p0 =	sne.s32 s15, $0x1;
	s15 =	sadd.s32 $0xFFFFFFFF, s15;
	v6 =	vtrunc.f32 v6;
	vm5 =	vlt.f32 v8, $0.0e+00;
	vm6 =	vgt.f32 v8, $0.0e+00  }
0x49: {  	v13 =	vsub.f32 v14, v13;
	vm7 =	vlt.f32 v12, $0.0e+00;
	v6 =	vcvt.f32.s32 v6  }
0x4a: {  	v14 =	vor.u32 v16, v0;
	vm5 =	vmor vm6, vm5;
	vm4 =	vmor vm4, vm7  }
0x4b: {  	v3 =	vtrunc.f32 v3;
	v16 =	vand.u32 $0x80000000, v13;
	v12 =	vsel vm4, v15, v12  }
0x4c: {  	vm4 =	vlt.f32 v13, $0.0e+00;
	vm6 =	vgt.f32 v13, $0.0e+00;
	v12 =	vadd.f32 $1.000000000e+00, v12  }
0x4d: {  	v15 =	vor.u32 v16, v0;
	vm4 =	vmor vm6, vm4;
	vm6 =	vgt.f32 v4, $0.0e+00  }
0x4e: {  	v13 =	vsel vm4, v15, v13;
	vm2 =	vmor vm6, vm2;
	v12 =	vmin.f32 v12, $1.000000000e+00  }
0x4f: {  	vm4 =	vgt.f32 v7, $0.0e+00;
	v13 =	vadd.f32 $1.000000000e+00, v13;
	v15 =	vsub.f32 $1.000000000e+00, v12  }
0x50: {  	v11 =	vor.u32 v11, v0;
	vm0 =	vmor vm1, vm0;
	vm3 =	vmor vm4, vm3  }
0x51: {  	v5 =	vsel vm0, v10, v5;
	v13 =	vmin.f32 v13, $1.000000000e+00;
	v10 =	vadd.f32 v15, v15  }
0x52: {  	v8 =	vsel vm5, v14, v8;
	v5 =	vadd.f32 $1.000000000e+00, v5;
	v4 =	vsel vm2, v9, v4;
	v15 =	vld [tilespmem:$0x0]  }
0x53: {  	v8 =	vadd.f32 $1.000000000e+00, v8;
	v7 =	vsel vm3, v11, v7;
	v9 =	vadd.f32 v10, v12  }
0x54: {  	v3 =	vcvt.f32.s32 v3;
	v5 =	vmin.f32 v5, $1.000000000e+00;
	v4 =	vadd.f32 $1.000000000e+00, v4  }
0x55: {  	v1 =	vmul.f32 $5.000000000e-01, v1;
	v2 =	vtrunc.f32 v2;
	v7 =	vadd.f32 $1.000000000e+00, v7  }
0x56: {  	v2 =	vcvt.f32.s32 v2;
	v4 =	vmin.f32 v4, $1.000000000e+00  }
0x57: {  	v7 =	vmin.f32 v7, $1.000000000e+00;
	v4 =	vmul.f32 v4, v5;
	v1 =	vadd.f32 v1, v15  }
0x58: {  	v5 =	vsub.f32 $1.000000000e+00, v7  }
0x59: {  	v8 =	vmin.f32 v8, $1.000000000e+00;
	v4 =	vsub.f32 $1.000000000e+00, v4;
	v1 =	vmul.f32 $6.400000000e+01, v1  }
0x5a: {  	v8 =	vmul.f32 v13, v8;
	v5 =	vadd.f32 v5, v5  }
0x5b: {  	v4 =	vmul.f32 v9, v4;
	v1 =	vtrunc.f32 v1  }
0x5c: {  	v8 =	vsub.f32 $1.000000000e+00, v8;
	v5 =	vadd.f32 v5, v7  }
0x5d: {  	v4 =	vtrunc.f32 v4  }
0x5e: {  	v5 =	vmul.f32 v5, v8;
	v4 =	vcvt.f32.s32 v4  }
0x5f: {  	v3 =	vshll.u32 v3, $0x6  }
0x60: {  	v2 =	vadd.s32 v2, v3;
	v5 =	vtrunc.f32 v5;
	v3 =	vshll.u32 v4, $0xC  }
0x61: {  	v4 =	vcvt.f32.s32 v5;
	v2 =	vadd.s32 v3, v2;
	v1 =	vcvt.f32.s32 v1  }
0x62: {  	v3 =	vshll.u32 v6, $0x6;
	[tilespmem:$0x290] =	vst v2  }
0x63: {  	v1 =	vadd.s32 v1, v3;
	v2 =	vshll.u32 v4, $0xC  }
0x64: {  	v1 =	vadd.s32 v2, v1  }
0x65: {  	[tilespmem:$0x280] =	vst v1  }
0x66: {  	[hbm4b:s13+s2] =	stream.linear.scatter [tilespmem:s14], [sflag:$0x1], $0x20, $0x38;
	[tilespmem:$0x300] =	vst v63  }
0x67: {  	_ =	swait.ge [sflag:s3], $0x20  }
0x68: {  	[sflag:s3] =	ssyncset.done $0x0  }
0x69: {  	[sflag:s3] =	ssyncadd.s32 $0xFFFFFFE0  }
0x6a: {  	[tilespmem:s2], [sflag:$0x1] =	stream.linear.gather [hbm4b:s5+s2], $0x20, $0x38;
	[tilespmem:$0x300] =	vst v63  }
0x6b: {  	_ =	swait.ge [sflag:s3], $0x20  }
0x6c: {  	[sflag:s3] =	ssyncset.done $0x0  }
0x6d: {  	[sflag:s3] =	ssyncadd.s32 $0xFFFFFFE0  }
0x6e: {  	[tilespmem:s7], [sflag:$0x1] =	stream.linear.gather [hbm4b:s6+s2], $0x20, $0x38;
	[tilespmem:$0x300] =	vst v63  }
0x6f: {  	_ =	swait.ge [sflag:s3], $0x20  }
0x70: {  	[sflag:s3] =	ssyncset.done $0x0  }
0x71: {  	[sflag:s3] =	ssyncadd.s32 $0xFFFFFFE0  }
0x72: {  	[tilespmem:s9], [sflag:$0x1] =	stream.linear.gather [hbm4b:s8+s2], $0x20, $0x38;
	[tilespmem:$0x300] =	vst v63  }
0x73: {  	_ =	swait.ge [sflag:s3], $0x20  }
0x74: {  	[sflag:s3] =	ssyncset.done $0x0  }
0x75: {  	[sflag:s3] =	ssyncadd.s32 $0xFFFFFFE0  }
0x76: {  	[tilespmem:s11], [sflag:$0x1] =	stream.linear.gather [hbm4b:s10+s2], $0x20, $0x38;
	[tilespmem:$0x300] =	vst v63  }
0x77: {  	_ =	swait.ge [sflag:s3], $0x20  }
0x78: {  	[sflag:s3] =	ssyncset.done $0x0  }
0x79: {  	[sflag:s3] =	ssyncadd.s32 $0xFFFFFFE0  }
0x7a: {  	[tilespmem:s12], [sflag:$0x1] =	stream.linear.gather [hbm4b:s4+s2], $0x80, $0x38;
	[tilespmem:$0x300] =	vst v63  }
0x7b: {  	_ =	swait.ge [sflag:s3], $0x80  }
0x7c: {  	[sflag:s3] =	ssyncset.done $0x0  }
0x7d: {  	[sflag:s3] =	ssyncadd.s32 $0xFFFFFF80  }
0x7e: {  	v2 =	vld [tilespmem:$0x10]  }
0x7f: {  	v3 =	vld [tilespmem:$0x90]  }
0x80: {  	v4 =	vld [tilespmem:$0x210]  }
0x81: {  	v5 =	vld [tilespmem:$0x240]  }
0x82: {  	v6 =	vld [tilespmem:$0x240]  }
0x83: {  	v7 =	vld [tilespmem:$0x220]  }
0x84: {  	v8 =	vld [tilespmem:$0x250]  }
0x85: {  	v9 =	vld [tilespmem:$0x230];
	(erf) = vrcp.f32 v4  }
0x86: {  	v10 =	vld [tilespmem:$0x220];
	(erf) = vrcp.f32 v5  }
0x87: {  	v11 =	vld [tilespmem:$0x230];
	(erf) = vrcp.f32 v6  }
0x88: {  	v12 =	vld [tilespmem:$0x190];
	(erf) = vrcp.f32 v7  }
0x89: {  	v13 =	vld [tilespmem:$0x110];
	(erf) = vrcp.f32 v8  }
0x8a: {  	v14 =	vld [tilespmem:$0x250]  }
0x8b: {  	v1 =	vld [tilespmem:$0x100];
	(erf) = vrcp.f32 v10  }
0x8c: {  	v15 =	vld [tilespmem:$0x210];
	(erf) = vrcp.f32 v11  }
0x8d: {  	v16 =	vld [tilespmem:$0x200];
	v17 =	vmul.f32 $5.000000000e-01, v12;
	(erf) = vrcp.f32 v12  }
0x8e: {  	v18 =	vld [tilespmem:$0x180];
	v19 =	vmul.f32 $5.000000000e-01, v13;
	(erf) = vrcp.f32 v13;
	v20 =	vpop (erf)  }
0x8f: {  	v3 =	vadd.f32 v17, v3;
	v17 =	vmul.f32 v20, v12;
	(erf) = vrcp.f32 v9;
	v20 =	vpop (erf)  }
0x90: {  	v20 =	vmul.f32 v20, v1;
	v2 =	vadd.f32 v19, v2;
	v19 =	vld [tilespmem:$0x200];
	(erf) = vrcp.f32 v1;
	v21 =	vpop (erf)  }
0x91: {  	v22 =	vld [tilespmem:$0x80];
	v21 =	vmul.f32 v21, v13;
	(erf) = vrcp.f32 v15;
	v23 =	vpop (erf)  }
0x92: {  	v23 =	vmul.f32 v23, v1;
	(erf) = vrcp.f32 v16;
	v24 =	vpop (erf)  }
0x93: {  	v24 =	vmul.f32 v24, v12;
	(erf) = vrcp.f32 v18  }
0x94: {  	v28 =	vmul.f32 $5.000000000e-01, v18;
	(erf) = vrcp.f32 v14;
	v26 =	vpop (erf)  }
0x95: {  	v3 =	vmul.f32 $6.400000000e+01, v3;
	(erf) = vrcp.f32 v19;
	v27 =	vpop (erf)  }
0x96: {  	v2 =	vmul.f32 $6.400000000e+01, v2;
	v22 =	vadd.f32 v28, v22;
	v12 =	vmul.f32 v27, v12;
	v25 =	vpop (erf)  }
0x97: {  	v26 =	vmul.f32 v26, v13;
	v11 =	vmul.f32 v11, v25;
	v27 =	vpop (erf)  }
0x98: {  	v19 =	vmul.f32 v19, v27;
	v10 =	vmul.f32 v10, v27;
	v28 =	vpop (erf)  }
0x99: {  	v4 =	vmul.f32 v4, v25;
	v6 =	vmul.f32 v6, v27;
	v27 =	vpop (erf)  }
0x9a: {  	v8 =	vmul.f32 v8, v25;
	v7 =	vmul.f32 v7, v27;
	v10 =	vmax.f32 v26, v10;
	v25 =	vpop (erf)  }
0x9b: {  	v5 =	vmul.f32 v5, v27;
	v21 =	vmax.f32 v21, v6;
	v25 =	vmul.f32 v25, v18;
	v26 =	vpop (erf)  }
0x9c: {  	v4 =	vmax.f32 v17, v4;
	v6 =	vmul.f32 $6.400000000e+01, v22;
	v22 =	vmul.f32 v28, v18;
	v17 =	vpop (erf)  }
0x9d: {  	v15 =	vmul.f32 v15, v17;
	v14 =	vmul.f32 v14, v17;
	v28 =	vpop (erf)  }
0x9e: {  	v9 =	vmul.f32 v9, v17;
	v17 =	vmul.f32 v28, v18;
	v18 =	vpop (erf)  }
0x9f: {  	v16 =	vmul.f32 v16, v27;
	v15 =	vmax.f32 v25, v15;
	v13 =	vmul.f32 v18, v13  }
0xa0: {  	v11 =	vmax.f32 v12, v11;
	v8 =	vmax.f32 v24, v8;
	v18 =	vmul.f32 v26, v1  }
0xa1: {  	v10 =	vmul.f32 v11, v10;
	v9 =	vmax.f32 v22, v9;
	v12 =	vmax.f32 v13, v19  }
0xa2: {  	v8 =	vmul.f32 v8, v21;
	v11 =	vmax.f32 v17, v14;
	v4 =	vmul.f32 v4, v12  }
0xa3: {  	v7 =	vmax.f32 v23, v7;
	v14 =	vmax.f32 v20, v5;
	v12 =	vmax.f32 v18, v16  }
0xa4: {  	v13 =	vmul.f32 v15, v12;
	v5 =	vsub.f32 v10, v4;
	v4 =	vsub.f32 v8, v4  }
0xa5: {  	v9 =	vmul.f32 v9, v7;
	v14 =	vmul.f32 v11, v14;
	v12 =	vsub.f32 v8, v10  }
.Ltmp1:
0xa6: {  	v10 =	vand.u32 $0x80000000, v5;
	vm0 =	vlt.f32 v5, $0.0e+00;
	vm1 =	vgt.f32 v5, $0.0e+00;
	(pc) =	sbr.rel @p0 .LBB2_1-.Ltmp1, $4  }
0xa7: {  	v7 =	vsub.f32 v14, v9;
	v11 =	vand.u32 $0x80000000, v4;
	vm2 =	vlt.f32 v4, $0.0e+00  }
0xa8: {  	v8 =	vsub.f32 v9, v13;
	v10 =	vor.u32 v10, v0;
	v9 =	vor.u32 v11, v0  }
0xa9: {  	v15 =	vand.u32 $0x80000000, v12;
	vm4 =	vgt.f32 v12, $0.0e+00;
	v11 =	vand.u32 $0x80000000, v7  }
0xaa: {  	vm3 =	vlt.f32 v7, $0.0e+00;
	v15 =	vor.u32 v15, v0;
	v16 =	vand.u32 $0x80000000, v8  }
.LBB2_2:
0xab: {  	v6 =	vtrunc.f32 v6;
	vm5 =	vlt.f32 v8, $0.0e+00  }
0xac: {  	vm6 =	vgt.f32 v8, $0.0e+00;
	v13 =	vsub.f32 v14, v13;
	vm7 =	vlt.f32 v12, $0.0e+00  }
0xad: {  	v47 =	vor.u32 v16, v0;
	vm14 =	vgt.f32 v4, $0.0e+00;
	v3 =	vtrunc.f32 v3  }
0xae: {  	vm15 =	vgt.f32 v7, $0.0e+00;
	v52 =	vor.u32 v11, v0;
	vm0 =	vmor vm1, vm0  }
0xaf: {  	v1 =	vmul.f32 $5.000000000e-01, v1;
	v2 =	vtrunc.f32 v2;
	vm4 =	vmor vm4, vm7  }
0xb0: {  	vm5 =	vmor vm6, vm5;
	vm2 =	vmor vm14, vm2;
	vm3 =	vmor vm15, vm3  }
0xb1: {  	v5 =	vsel vm0, v10, v5;
	v48 =	vand.u32 $0x80000000, v13;
	v49 =	vsel vm4, v15, v12  }
0xb2: {  	vm12 =	vlt.f32 v13, $0.0e+00;
	vm13 =	vgt.f32 v13, $0.0e+00;
	v54 =	vsel vm2, v9, v4  }
0xb3: {  	v56 =	vsel vm5, v47, v8;
	v5 =	vadd.f32 $1.000000000e+00, v5;
	v12 =	vadd.f32 $1.000000000e+00, v49  }
0xb4: {  	v50 =	vor.u32 v48, v0;
	v0 =	vsel vm3, v52, v7;
	v4 =	vadd.f32 $1.000000000e+00, v54  }
0xb5: {  	v55 =	vld [tilespmem:$0x0];
	vm4 =	vmor vm13, vm12;
	v8 =	vadd.f32 $1.000000000e+00, v56;
	v0 =	vadd.f32 $1.000000000e+00, v0  }
0xb6: {  	v13 =	vsel vm4, v50, v13;
	v5 =	vmin.f32 v5, $1.000000000e+00;
	v12 =	vmin.f32 v12, $1.000000000e+00  }
0xb7: {  	v13 =	vadd.f32 $1.000000000e+00, v13;
	v51 =	vsub.f32 $1.000000000e+00, v12;
	v0 =	vmin.f32 v0, $1.000000000e+00  }
0xb8: {  	v4 =	vmin.f32 v4, $1.000000000e+00;
	v59 =	vmin.f32 v8, $1.000000000e+00;
	v58 =	vsub.f32 $1.000000000e+00, v0  }
0xb9: {  	v4 =	vmul.f32 v4, v5;
	v53 =	vmin.f32 v13, $1.000000000e+00;
	v57 =	vadd.f32 v51, v51  }
0xba: {  	v1 =	vadd.f32 v1, v55;
	v5 =	vmul.f32 v53, v59;
	v61 =	vadd.f32 v58, v58  }
0xbb: {  	v6 =	vcvt.f32.s32 v6;
	v4 =	vsub.f32 $1.000000000e+00, v4;
	v60 =	vadd.f32 v57, v12  }
0xbc: {  	v3 =	vcvt.f32.s32 v3;
	v5 =	vsub.f32 $1.000000000e+00, v5;
	v0 =	vadd.f32 v61, v0  }
0xbd: {  	v1 =	vmul.f32 $6.400000000e+01, v1;
	v4 =	vmul.f32 v60, v4  }
0xbe: {  	v2 =	vcvt.f32.s32 v2;
	v0 =	vmul.f32 v0, v5  }
0xbf: {  	v1 =	vtrunc.f32 v1;
	v4 =	vtrunc.f32 v4  }
0xc0: {  	v4 =	vcvt.f32.s32 v4;
	v0 =	vtrunc.f32 v0  }
0xc1: {  	v3 =	vshll.u32 v3, $0x6;
	v1 =	vcvt.f32.s32 v1;
	v0 =	vcvt.f32.s32 v0  }
0xc2: {  	v63 =	vshll.u32 v6, $0x6;
	v2 =	vadd.s32 v2, v3;
	v62 =	vshll.u32 v4, $0xC  }
0xc3: {  	v1 =	vadd.s32 v1, v63;
	v2 =	vadd.s32 v62, v2;
	v0 =	vshll.u32 v0, $0xC  }
0xc4: {  	[tilespmem:$0x290] =	vst v2;
	v0 =	vadd.s32 v0, v1  }
0xc5: {  	[tilespmem:$0x280] =	vst v0  }
0xc6: {  	[hbm4b:s13+s2] =	stream.linear.scatter [tilespmem:s14], [sflag:$0x1], $0x20, $0x38;
	[tilespmem:$0x300] =	vst v63  }
0xc7: {  	_ =	swait.ge [sflag:s3], $0x20  }
0xc8: {  	[sflag:s3] =	ssyncset.done $0x0  }
0xc9: {  	[sflag:s3] =	ssyncadd.s32 $0xFFFFFFE0  }
0xca: {  	_ =	sfence.sel $0x180000  }
0xcb: {  	[bflag:$0x0] =	sbarrier.arrive $0xFFFF  }
0xcc: {  	p0 =	sne.s32 s0, $0x0;
	_ =	strace $0x90000047  }
0xcd: {  	s0 =	sadd.s32 @!p0 $0x100000, s1;
	[bflag:$0x2] =	sbarrier.arrive $0xFFFF  }
0xce: {  	[sflag:s0] =	ssyncadd.tile.s32 @!p0 $0x1;
	_ =	shalt  }
.Lfunc_end2:
_tile_overlayer_lowered:
.L_overlay_start_2:
0xcf: {  	(tag) =	ssettag $0x2  }
0xd0: {  	s0 =	rddreg [dreg:$0x0];
	s2 =	stileid.u32  }
0xd1: {  	s1 =	rddreg [dreg:$0x1];
	p0 =	sne.s32 s2, $0x0  }
0xd2: {  	s3 =	rddreg [dreg:$0x2];
	[bflag:$0x3] =	sbarrier.arrive $0xFFFF;
	s2 =	simm.s32 @!p0 $0x1C01  }
0xd3: {  	[timem:s3], [sflag:s2] =	dma.local @!p0 [hbm:s0], s1  }
0xd4: {  	s0 =	simm.s32 @!p0 $0x1  }
0xd5: {  	_ =	swait.ge @!p0 [sflag:s0], s1  }
0xd6: {  	s1 =	ssub.s32 @!p0 $0x0, s1;
	[sflag:s0] =	ssyncset.done @!p0 $0x0  }
0xd7: {  	[sflag:s0] =	ssyncadd.s32 @!p0 s1  }
0xd8: {  	[bflag:$0x3] =	sbarrier.arrive $0xFFFF  }
0xd9: {  	_ =	shalt  }

</sc_bundles>
